<compile_context>
chip_gen: v7x
topology: tpu7x:2x2x1
jax: 0.10.2.dev20260603
libtpu: 0.0.44.dev20260713+nightly
codegen_flags: <defaults>
</compile_context>

<pallas_src>
import functools

import jax
import jax.numpy as jnp
from jax import lax
from jax.experimental import pallas as pl
from jax.experimental.pallas import tpu as pltpu
from jax.experimental.pallas import tpu_sc as plsc

N_TOKENS = 65536
DT, DH, DW = 344, 340, 340
DOUT = DT + DH + DW
HALF = 512
SPLIT_H = HALF - DT
SPLIT = 32768
BLK = 2048


def _sc_half(th_hbm, hw_hbm, tab_th, tab_hw, out_hbm,
             idx_th, idx_hw, *bufs_and_sems, bpw, chunk, nbuf):
    rows = bufs_and_sems[:nbuf]
    gsem = bufs_and_sems[nbuf:2 * nbuf]
    wsem = bufs_and_sems[2 * nbuf:3 * nbuf]
    nc = 2
    wid = lax.axis_index("s") * nc + lax.axis_index("c")
    base = wid * bpw
    out_base = SPLIT + base
    nsteps = bpw // chunk

    pltpu.sync_copy(th_hbm.at[pl.ds(base, bpw)], idx_th)
    pltpu.sync_copy(hw_hbm.at[pl.ds(base, bpw)], idx_hw)

    def gather(i, b):
        sl = pl.ds(i * chunk, chunk)
        pltpu.async_copy(tab_th.at[idx_th.at[sl]],
                         rows[b].at[:, pl.ds(0, HALF)], gsem[b])
        pltpu.async_copy(tab_hw.at[idx_hw.at[sl]],
                         rows[b].at[:, pl.ds(HALF, HALF)], gsem[b])

    def wait_gather(b):
        pltpu.make_async_copy(rows[b], out_hbm.at[pl.ds(0, chunk)],
                              gsem[b]).wait()

    def write(i, b):
        pltpu.async_copy(rows[b],
                         out_hbm.at[pl.ds(out_base + i * chunk, chunk)],
                         wsem[b])

    def wait_write(b):
        pltpu.make_async_copy(rows[b], out_hbm.at[pl.ds(0, chunk)],
                              wsem[b]).wait()

    for b in range(nbuf - 1):
        gather(b, b)

    def body(i, carry):
        for b in range(nbuf):
            @pl.when((i + nbuf - 1) % nbuf == b)
            def _issue():
                @pl.when(i >= 1)
                def _drain():
                    wait_write(b)
                gather(i + nbuf - 1, b)
            @pl.when(i % nbuf == b)
            def _consume():
                wait_gather(b)
                write(i, b)
        return carry

    lax.fori_loop(0, nsteps - (nbuf - 1), body, 0)
    for j in range(nsteps - (nbuf - 1), nsteps):
        b = j % nbuf
        wait_gather(b)
        write(j, b)
    for b in range(nbuf):
        wait_write(b)


def _tc_body(ids_ref, tab_ref, _sc_ref, out_ref):
    iota = jax.lax.broadcasted_iota(jnp.int32, (BLK, 192), 1)
    oh = ((ids_ref[0][:, None] == iota).astype(jnp.float32)
          + (ids_ref[1][:, None] == iota).astype(jnp.float32)
          + (ids_ref[2][:, None] == iota).astype(jnp.float32))
    out_ref[...] = jnp.dot(oh, tab_ref[...],
                           preferred_element_type=jnp.float32)


def kernel(position_ids, pos_embed_t, pos_embed_h, pos_embed_w):
    pid = position_ids.reshape(3, -1).astype(jnp.int32)

    th_ids = pid[0, SPLIT:] * 64 + pid[1, SPLIT:]
    hw_ids = pid[1, SPLIT:] * 64 + pid[2, SPLIT:]
    tab_th = jnp.concatenate(
        [jnp.repeat(pos_embed_t, 64, axis=0),
         jnp.tile(pos_embed_h[:, :SPLIT_H], (64, 1))], axis=-1)
    tab_hw = jnp.concatenate(
        [jnp.repeat(pos_embed_h[:, SPLIT_H:], 64, axis=0),
         jnp.tile(pos_embed_w, (64, 1))], axis=-1)

    nw = 32
    bpw = (N_TOKENS - SPLIT) // nw
    chunk = 16
    nbuf = 4

    mesh = plsc.VectorSubcoreMesh(core_axis_name="c", subcore_axis_name="s")
    sc_run = functools.partial(
        pl.kernel,
        mesh=mesh,
        out_type=jax.ShapeDtypeStruct((N_TOKENS, DOUT), jnp.float32),
        scratch_types=(
            [pltpu.VMEM((bpw,), jnp.int32)] * 2
            + [pltpu.VMEM((chunk, DOUT), jnp.float32)] * nbuf
            + [pltpu.SemaphoreType.DMA] * (2 * nbuf)
        ),
    )(functools.partial(_sc_half, bpw=bpw, chunk=chunk, nbuf=nbuf))
    sc_out = sc_run(th_ids, hw_ids, tab_th, tab_hw)

    shifts = jnp.array([0, 64, 128], dtype=jnp.int32)[:, None]
    ids3 = pid[:, :SPLIT] + shifts
    tab = jnp.zeros((192, DOUT), jnp.float32)
    tab = tab.at[0:64, 0:DT].set(pos_embed_t)
    tab = tab.at[64:128, DT:DT + DH].set(pos_embed_h)
    tab = tab.at[128:192, DT + DH:DOUT].set(pos_embed_w)

    return pl.pallas_call(
        _tc_body,
        grid=(SPLIT // BLK,),
        in_specs=[
            pl.BlockSpec((3, BLK), lambda i: (0, i)),
            pl.BlockSpec((192, DOUT), lambda i: (0, 0)),
            pl.BlockSpec(memory_space=pl.ANY),
        ],
        out_specs=pl.BlockSpec((BLK, DOUT), lambda i: (i, 0)),
        out_shape=jax.ShapeDtypeStruct((N_TOKENS, DOUT), jnp.float32),
        input_output_aliases={2: 0},
    )(ids3, tab, sc_out)

# --- scband reference (transcript-rebuilt; emitter-appended) ---
"""Pipeline reference for scband-video-position-embedding-20134806684005 (READ-ONLY COPY).

The authoritative reference and input builder live on the scoring server;
editing this copy changes nothing except your own understanding.
"""

import jax, jax.numpy as jnp
import numpy as np


def _sincos_1d(embed_dim, pos):
    assert embed_dim % 2 == 0
    omega = np.arange(embed_dim // 2, dtype=np.float64)
    omega /= embed_dim / 2.0
    omega = 1.0 / 10000 ** omega
    pos = pos.reshape(-1)
    out = np.einsum('m,d->md', pos, omega)
    return np.concatenate([np.sin(out), np.cos(out)], axis=1)


def setup_inputs(seed: int = 0) -> dict:
    key = jax.random.key(seed)
    max_t, max_h, max_w, hidden_size = 64, 64, 64, 1024
    N = 65536
    dim_t = hidden_size - 4 * (hidden_size // 6)
    dim_h = 2 * (hidden_size // 6)
    dim_w = 2 * (hidden_size // 6)
    pos_embed_t = jnp.asarray(_sincos_1d(dim_t, np.arange(max_t, dtype=np.float32)), dtype=jnp.float32)
    pos_embed_h = jnp.asarray(_sincos_1d(dim_h, np.arange(max_h, dtype=np.float32)), dtype=jnp.float32)
    pos_embed_w = jnp.asarray(_sincos_1d(dim_w, np.arange(max_w, dtype=np.float32)), dtype=jnp.float32)
    position_ids = jax.random.randint(key, (3, 1, N), 0, 64)
    return {
        'position_ids': position_ids,
        'pos_embed_t': pos_embed_t,
        'pos_embed_h': pos_embed_h,
        'pos_embed_w': pos_embed_w,
    }


def reference(position_ids, pos_embed_t, pos_embed_h, pos_embed_w):
    pid = position_ids[:, 0]
    t_ids = pid[0]
    h_ids = pid[1]
    w_ids = pid[2]
    emb_t = jnp.take(pos_embed_t, t_ids, axis=0)
    emb_h = jnp.take(pos_embed_h, h_ids, axis=0)
    emb_w = jnp.take(pos_embed_w, w_ids, axis=0)
    return jnp.concatenate([emb_t, emb_h, emb_w], axis=-1)

if __name__ == "__main__":
    import jax
    _d = setup_inputs()
    print(jax.jit(kernel)(*tuple(_d.values())))

</pallas_src>

<mosaic_0001>
#map = affine_map<(d0, d1) -> (0)>
#map1 = affine_map<(d0, d1) -> (0, 0)>
module attributes {stable_mosaic.version = 14 : i64} {
  func.func @_sc_half(%arg0: i32, %arg1: i32, %arg2: memref<32768xi32, #tpu.memory_space<hbm>>, %arg3: memref<32768xi32, #tpu.memory_space<hbm>>, %arg4: memref<4096x512xf32, #tpu.memory_space<hbm>>, %arg5: memref<4096x512xf32, #tpu.memory_space<hbm>>, %arg6: memref<65536x1024xf32, #tpu.memory_space<hbm>>, %arg7: memref<1024xi32, #tpu.memory_space<vmem>>, %arg8: memref<1024xi32, #tpu.memory_space<vmem>>, %arg9: memref<16x1024xf32, #tpu.memory_space<vmem>>, %arg10: memref<16x1024xf32, #tpu.memory_space<vmem>>, %arg11: memref<16x1024xf32, #tpu.memory_space<vmem>>, %arg12: memref<16x1024xf32, #tpu.memory_space<vmem>>, %arg13: memref<!tpu.dma_semaphore, #tpu.memory_space<semaphore_mem>>, %arg14: memref<!tpu.dma_semaphore, #tpu.memory_space<semaphore_mem>>, %arg15: memref<!tpu.dma_semaphore, #tpu.memory_space<semaphore_mem>>, %arg16: memref<!tpu.dma_semaphore, #tpu.memory_space<semaphore_mem>>, %arg17: memref<!tpu.dma_semaphore, #tpu.memory_space<semaphore_mem>>, %arg18: memref<!tpu.dma_semaphore, #tpu.memory_space<semaphore_mem>>, %arg19: memref<!tpu.dma_semaphore, #tpu.memory_space<semaphore_mem>>, %arg20: memref<!tpu.dma_semaphore, #tpu.memory_space<semaphore_mem>>) attributes {dimension_semantics = [#tpu.dimension_semantics<core_parallel>, #tpu.dimension_semantics<subcore_parallel>], iteration_bounds = array<i64: 2, 16>, scalar_prefetch = 0 : i64, scratch_operands = 14 : i64, tpu.core_type = #tpu.core_type<sc_vector_subcore>, window_params = [{transform_indices = #map}, {transform_indices = #map}, {transform_indices = #map1}, {transform_indices = #map1}, {transform_indices = #map1}]} {
    %mul3A = arith.constant 2 : i32
    %mul3A_0 = arith.muli %arg1, %mul3A : i32
    %add3A = arith.addi %mul3A_0, %arg0 : i32
    %mul3A_1 = arith.constant 1024 : i32
    %mul3A_2 = arith.muli %add3A, %mul3A_1 : i32
    %add3A_3 = arith.constant 32768 : i32
    %add3A_4 = arith.addi %add3A_3, %mul3A_2 : i32
    "tpu.region"() ({
      %run_scoped3A = tpu.sem_alloc : memref<!tpu.dma_semaphore, #tpu.memory_space<semaphore_mem>>
      %dma_start3A_116 = tpu.memref_slice %arg2[%mul3A_2] : memref<32768xi32, #tpu.memory_space<hbm>> -> memref<1024xi32, #tpu.memory_space<hbm>>
      %dma_start3A_117 = tpu.memref_slice %arg2[%mul3A_2] : memref<32768xi32, #tpu.memory_space<hbm>> -> memref<1024xi32, #tpu.memory_space<hbm>>
      tpu.enqueue_dma source(%dma_start3A_117 : memref<1024xi32, #tpu.memory_space<hbm>>) target(%arg7 : memref<1024xi32, #tpu.memory_space<vmem>>) target_semaphore(%run_scoped3A : memref<!tpu.dma_semaphore, #tpu.memory_space<semaphore_mem>>)
      %dma_wait3A_118 = tpu.memref_slice %arg2[%mul3A_2] : memref<32768xi32, #tpu.memory_space<hbm>> -> memref<1024xi32, #tpu.memory_space<hbm>>
      %dma_wait3A_119 = tpu.memref_slice %arg2[%mul3A_2] : memref<32768xi32, #tpu.memory_space<hbm>> -> memref<1024xi32, #tpu.memory_space<hbm>>
      tpu.wait_dma2 semaphore(%run_scoped3A : memref<!tpu.dma_semaphore, #tpu.memory_space<semaphore_mem>>) src(%dma_wait3A_119 : memref<1024xi32, #tpu.memory_space<hbm>>) dst(%arg7 : memref<1024xi32, #tpu.memory_space<vmem>>)
      tpu.yield
    }) : () -> ()
    "tpu.region"() ({
      %run_scoped3A = tpu.sem_alloc : memref<!tpu.dma_semaphore, #tpu.memory_space<semaphore_mem>>
      %dma_start3A_116 = tpu.memref_slice %arg3[%mul3A_2] : memref<32768xi32, #tpu.memory_space<hbm>> -> memref<1024xi32, #tpu.memory_space<hbm>>
      %dma_start3A_117 = tpu.memref_slice %arg3[%mul3A_2] : memref<32768xi32, #tpu.memory_space<hbm>> -> memref<1024xi32, #tpu.memory_space<hbm>>
      tpu.enqueue_dma source(%dma_start3A_117 : memref<1024xi32, #tpu.memory_space<hbm>>) target(%arg8 : memref<1024xi32, #tpu.memory_space<vmem>>) target_semaphore(%run_scoped3A : memref<!tpu.dma_semaphore, #tpu.memory_space<semaphore_mem>>)
      %dma_wait3A_118 = tpu.memref_slice %arg3[%mul3A_2] : memref<32768xi32, #tpu.memory_space<hbm>> -> memref<1024xi32, #tpu.memory_space<hbm>>
      %dma_wait3A_119 = tpu.memref_slice %arg3[%mul3A_2] : memref<32768xi32, #tpu.memory_space<hbm>> -> memref<1024xi32, #tpu.memory_space<hbm>>
      tpu.wait_dma2 semaphore(%run_scoped3A : memref<!tpu.dma_semaphore, #tpu.memory_space<semaphore_mem>>) src(%dma_wait3A_119 : memref<1024xi32, #tpu.memory_space<hbm>>) dst(%arg8 : memref<1024xi32, #tpu.memory_space<vmem>>)
      tpu.yield
    }) : () -> ()
    %dma_start3A = arith.constant 0 : i32
    %dma_start3A_5 = arith.constant 0 : i32
    %dma_start3A_6 = tpu.memref_slice %arg9[%dma_start3A, %dma_start3A_5] : memref<16x1024xf32, #tpu.memory_space<vmem>> -> memref<16x512xf32, #tpu.memory_space<vmem>>
    %dma_start3A_7 = arith.constant 0 : i32
    %dma_start3A_8 = tpu.memref_slice %arg7[%dma_start3A_7] : memref<1024xi32, #tpu.memory_space<vmem>> -> memref<16xi32, #tpu.memory_space<vmem>>
    %dma_start3A_9 = arith.constant 0 : i32
    %dma_start3A_10 = arith.constant 0 : i32
    %dma_start3A_11 = tpu.memref_slice %arg4[%dma_start3A_9, %dma_start3A_10] : memref<4096x512xf32, #tpu.memory_space<hbm>> -> memref<4096x512xf32, #tpu.memory_space<hbm>>
    tpu.enqueue_indirect_dma source(%dma_start3A_11 : memref<4096x512xf32, #tpu.memory_space<hbm>>) target(%dma_start3A_6 : memref<16x512xf32, #tpu.memory_space<vmem>>) offsets(%dma_start3A_8 : memref<16xi32, #tpu.memory_space<vmem>>) semaphore(%arg13 : memref<!tpu.dma_semaphore, #tpu.memory_space<semaphore_mem>>)
    %dma_start3A_12 = arith.constant 0 : i32
    %dma_start3A_13 = arith.constant 512 : i32
    %dma_start3A_14 = tpu.memref_slice %arg9[%dma_start3A_12, %dma_start3A_13] : memref<16x1024xf32, #tpu.memory_space<vmem>> -> memref<16x512xf32, #tpu.memory_space<vmem>>
    %dma_start3A_15 = arith.constant 0 : i32
    %dma_start3A_16 = tpu.memref_slice %arg8[%dma_start3A_15] : memref<1024xi32, #tpu.memory_space<vmem>> -> memref<16xi32, #tpu.memory_space<vmem>>
    %dma_start3A_17 = arith.constant 0 : i32
    %dma_start3A_18 = arith.constant 0 : i32
    %dma_start3A_19 = tpu.memref_slice %arg5[%dma_start3A_17, %dma_start3A_18] : memref<4096x512xf32, #tpu.memory_space<hbm>> -> memref<4096x512xf32, #tpu.memory_space<hbm>>
    tpu.enqueue_indirect_dma source(%dma_start3A_19 : memref<4096x512xf32, #tpu.memory_space<hbm>>) target(%dma_start3A_14 : memref<16x512xf32, #tpu.memory_space<vmem>>) offsets(%dma_start3A_16 : memref<16xi32, #tpu.memory_space<vmem>>) semaphore(%arg13 : memref<!tpu.dma_semaphore, #tpu.memory_space<semaphore_mem>>)
    %dma_start3A_20 = arith.constant 0 : i32
    %dma_start3A_21 = arith.constant 0 : i32
    %dma_start3A_22 = tpu.memref_slice %arg10[%dma_start3A_20, %dma_start3A_21] : memref<16x1024xf32, #tpu.memory_space<vmem>> -> memref<16x512xf32, #tpu.memory_space<vmem>>
    %dma_start3A_23 = arith.constant 16 : i32
    %dma_start3A_24 = tpu.memref_slice %arg7[%dma_start3A_23] : memref<1024xi32, #tpu.memory_space<vmem>> -> memref<16xi32, #tpu.memory_space<vmem>>
    %dma_start3A_25 = arith.constant 0 : i32
    %dma_start3A_26 = arith.constant 0 : i32
    %dma_start3A_27 = tpu.memref_slice %arg4[%dma_start3A_25, %dma_start3A_26] : memref<4096x512xf32, #tpu.memory_space<hbm>> -> memref<4096x512xf32, #tpu.memory_space<hbm>>
    tpu.enqueue_indirect_dma source(%dma_start3A_27 : memref<4096x512xf32, #tpu.memory_space<hbm>>) target(%dma_start3A_22 : memref<16x512xf32, #tpu.memory_space<vmem>>) offsets(%dma_start3A_24 : memref<16xi32, #tpu.memory_space<vmem>>) semaphore(%arg14 : memref<!tpu.dma_semaphore, #tpu.memory_space<semaphore_mem>>)
    %dma_start3A_28 = arith.constant 0 : i32
    %dma_start3A_29 = arith.constant 512 : i32
    %dma_start3A_30 = tpu.memref_slice %arg10[%dma_start3A_28, %dma_start3A_29] : memref<16x1024xf32, #tpu.memory_space<vmem>> -> memref<16x512xf32, #tpu.memory_space<vmem>>
    %dma_start3A_31 = arith.constant 16 : i32
    %dma_start3A_32 = tpu.memref_slice %arg8[%dma_start3A_31] : memref<1024xi32, #tpu.memory_space<vmem>> -> memref<16xi32, #tpu.memory_space<vmem>>
    %dma_start3A_33 = arith.constant 0 : i32
    %dma_start3A_34 = arith.constant 0 : i32
    %dma_start3A_35 = tpu.memref_slice %arg5[%dma_start3A_33, %dma_start3A_34] : memref<4096x512xf32, #tpu.memory_space<hbm>> -> memref<4096x512xf32, #tpu.memory_space<hbm>>
    tpu.enqueue_indirect_dma source(%dma_start3A_35 : memref<4096x512xf32, #tpu.memory_space<hbm>>) target(%dma_start3A_30 : memref<16x512xf32, #tpu.memory_space<vmem>>) offsets(%dma_start3A_32 : memref<16xi32, #tpu.memory_space<vmem>>) semaphore(%arg14 : memref<!tpu.dma_semaphore, #tpu.memory_space<semaphore_mem>>)
    %dma_start3A_36 = arith.constant 0 : i32
    %dma_start3A_37 = arith.constant 0 : i32
    %dma_start3A_38 = tpu.memref_slice %arg11[%dma_start3A_36, %dma_start3A_37] : memref<16x1024xf32, #tpu.memory_space<vmem>> -> memref<16x512xf32, #tpu.memory_space<vmem>>
    %dma_start3A_39 = arith.constant 32 : i32
    %dma_start3A_40 = tpu.memref_slice %arg7[%dma_start3A_39] : memref<1024xi32, #tpu.memory_space<vmem>> -> memref<16xi32, #tpu.memory_space<vmem>>
    %dma_start3A_41 = arith.constant 0 : i32
    %dma_start3A_42 = arith.constant 0 : i32
    %dma_start3A_43 = tpu.memref_slice %arg4[%dma_start3A_41, %dma_start3A_42] : memref<4096x512xf32, #tpu.memory_space<hbm>> -> memref<4096x512xf32, #tpu.memory_space<hbm>>
    tpu.enqueue_indirect_dma source(%dma_start3A_43 : memref<4096x512xf32, #tpu.memory_space<hbm>>) target(%dma_start3A_38 : memref<16x512xf32, #tpu.memory_space<vmem>>) offsets(%dma_start3A_40 : memref<16xi32, #tpu.memory_space<vmem>>) semaphore(%arg15 : memref<!tpu.dma_semaphore, #tpu.memory_space<semaphore_mem>>)
    %dma_start3A_44 = arith.constant 0 : i32
    %dma_start3A_45 = arith.constant 512 : i32
    %dma_start3A_46 = tpu.memref_slice %arg11[%dma_start3A_44, %dma_start3A_45] : memref<16x1024xf32, #tpu.memory_space<vmem>> -> memref<16x512xf32, #tpu.memory_space<vmem>>
    %dma_start3A_47 = arith.constant 32 : i32
    %dma_start3A_48 = tpu.memref_slice %arg8[%dma_start3A_47] : memref<1024xi32, #tpu.memory_space<vmem>> -> memref<16xi32, #tpu.memory_space<vmem>>
    %dma_start3A_49 = arith.constant 0 : i32
    %dma_start3A_50 = arith.constant 0 : i32
    %dma_start3A_51 = tpu.memref_slice %arg5[%dma_start3A_49, %dma_start3A_50] : memref<4096x512xf32, #tpu.memory_space<hbm>> -> memref<4096x512xf32, #tpu.memory_space<hbm>>
    tpu.enqueue_indirect_dma source(%dma_start3A_51 : memref<4096x512xf32, #tpu.memory_space<hbm>>) target(%dma_start3A_46 : memref<16x512xf32, #tpu.memory_space<vmem>>) offsets(%dma_start3A_48 : memref<16xi32, #tpu.memory_space<vmem>>) semaphore(%arg15 : memref<!tpu.dma_semaphore, #tpu.memory_space<semaphore_mem>>)
    %scan3A = arith.constant 0 : i32
    %scan3A_52 = arith.constant 0 : i32
    %scan3A_53 = arith.constant 61 : i32
    %scan3A_54 = arith.addi %scan3A_52, %scan3A_53 : i32
    %scan3A_55 = arith.constant 1 : i32
    scf.for %scan3A_116 = %scan3A_52 to %scan3A_54 step %scan3A_55  : i32 {
      %add3A_117 = arith.constant 4 : i32
      %add3A_118 = arith.addi %scan3A_116, %add3A_117 : i32
      %sub3A = arith.constant 1 : i32
      %sub3A_119 = arith.subi %add3A_118, %sub3A : i32
      %jit3A = arith.constant 4 : i32
      %eq3A = arith.constant 0 : i32
      %eq3A_120 = arith.cmpi eq, %jit3A, %eq3A : i32
      %jit3A_121 = arith.constant 1 : i32
      %select_n3A = arith.select %eq3A_120, %jit3A_121, %jit3A : i32
      %rem3A = arith.remsi %sub3A_119, %select_n3A : i32
      %ne3A = arith.constant 0 : i32
      %ne3A_122 = arith.cmpi ne, %rem3A, %ne3A : i32
      %lt3A = arith.constant 0 : i32
      %lt3A_123 = arith.cmpi slt, %rem3A, %lt3A : i32
      %lt3A_124 = arith.constant 0 : i32
      %lt3A_125 = arith.cmpi slt, %select_n3A, %lt3A_124 : i32
      %ne3A_126 = arith.xori %lt3A_123, %lt3A_125 : i1
      %and3A = arith.andi %ne3A_126, %ne3A_122 : i1
      %add3A_127 = arith.addi %rem3A, %select_n3A : i32
      %select_n3A_128 = arith.select %and3A, %add3A_127, %rem3A : i32
      %eq3A_129 = arith.constant 0 : i32
      %eq3A_130 = arith.cmpi eq, %select_n3A_128, %eq3A_129 : i32
      %convert_element_type3A = arith.extui %eq3A_130 : i1 to i32
      %cond3A = arith.constant 0 : i32
      %cond3A_131 = arith.cmpi ne, %convert_element_type3A, %cond3A : i32
      scf.if %cond3A_131 {
        %ge3A = arith.constant 1 : i32
        %ge3A_291 = arith.cmpi sge, %scan3A_116, %ge3A : i32
        %convert_element_type3A_292 = arith.extui %ge3A_291 : i1 to i32
        %cond3A_293 = arith.constant 0 : i32
        %cond3A_294 = arith.cmpi ne, %convert_element_type3A_292, %cond3A_293 : i32
        scf.if %cond3A_294 {
          %dma_wait3A_315 = arith.constant 0 : i32
          %dma_wait3A_316 = arith.constant 0 : i32
          %dma_wait3A_317 = tpu.memref_slice %arg6[%dma_wait3A_315, %dma_wait3A_316] : memref<65536x1024xf32, #tpu.memory_space<hbm>> -> memref<16x1024xf32, #tpu.memory_space<hbm>>
          %dma_wait3A_318 = arith.constant 0 : i32
          %dma_wait3A_319 = arith.constant 0 : i32
          %dma_wait3A_320 = tpu.memref_slice %arg6[%dma_wait3A_318, %dma_wait3A_319] : memref<65536x1024xf32, #tpu.memory_space<hbm>> -> memref<16x1024xf32, #tpu.memory_space<hbm>>
          tpu.wait_dma2 semaphore(%arg17 : memref<!tpu.dma_semaphore, #tpu.memory_space<semaphore_mem>>) src(%arg9 : memref<16x1024xf32, #tpu.memory_space<vmem>>) dst(%dma_wait3A_320 : memref<16x1024xf32, #tpu.memory_space<hbm>>)
        } else {
        }
        %add3A_295 = arith.constant 4 : i32
        %add3A_296 = arith.addi %scan3A_116, %add3A_295 : i32
        %sub3A_297 = arith.constant 1 : i32
        %sub3A_298 = arith.subi %add3A_296, %sub3A_297 : i32
        %mul3A_299 = arith.constant 16 : i32
        %mul3A_300 = arith.muli %sub3A_298, %mul3A_299 : i32
        %dma_start3A_301 = arith.constant 0 : i32
        %dma_start3A_302 = arith.constant 0 : i32
        %dma_start3A_303 = tpu.memref_slice %arg9[%dma_start3A_301, %dma_start3A_302] : memref<16x1024xf32, #tpu.memory_space<vmem>> -> memref<16x512xf32, #tpu.memory_space<vmem>>
        %dma_start3A_304 = tpu.memref_slice %arg7[%mul3A_300] : memref<1024xi32, #tpu.memory_space<vmem>> -> memref<16xi32, #tpu.memory_space<vmem>>
        %dma_start3A_305 = arith.constant 0 : i32
        %dma_start3A_306 = arith.constant 0 : i32
        %dma_start3A_307 = tpu.memref_slice %arg4[%dma_start3A_305, %dma_start3A_306] : memref<4096x512xf32, #tpu.memory_space<hbm>> -> memref<4096x512xf32, #tpu.memory_space<hbm>>
        tpu.enqueue_indirect_dma source(%dma_start3A_307 : memref<4096x512xf32, #tpu.memory_space<hbm>>) target(%dma_start3A_303 : memref<16x512xf32, #tpu.memory_space<vmem>>) offsets(%dma_start3A_304 : memref<16xi32, #tpu.memory_space<vmem>>) semaphore(%arg13 : memref<!tpu.dma_semaphore, #tpu.memory_space<semaphore_mem>>)
        %dma_start3A_308 = arith.constant 0 : i32
        %dma_start3A_309 = arith.constant 512 : i32
        %dma_start3A_310 = tpu.memref_slice %arg9[%dma_start3A_308, %dma_start3A_309] : memref<16x1024xf32, #tpu.memory_space<vmem>> -> memref<16x512xf32, #tpu.memory_space<vmem>>
        %dma_start3A_311 = tpu.memref_slice %arg8[%mul3A_300] : memref<1024xi32, #tpu.memory_space<vmem>> -> memref<16xi32, #tpu.memory_space<vmem>>
        %dma_start3A_312 = arith.constant 0 : i32
        %dma_start3A_313 = arith.constant 0 : i32
        %dma_start3A_314 = tpu.memref_slice %arg5[%dma_start3A_312, %dma_start3A_313] : memref<4096x512xf32, #tpu.memory_space<hbm>> -> memref<4096x512xf32, #tpu.memory_space<hbm>>
        tpu.enqueue_indirect_dma source(%dma_start3A_314 : memref<4096x512xf32, #tpu.memory_space<hbm>>) target(%dma_start3A_310 : memref<16x512xf32, #tpu.memory_space<vmem>>) offsets(%dma_start3A_311 : memref<16xi32, #tpu.memory_space<vmem>>) semaphore(%arg13 : memref<!tpu.dma_semaphore, #tpu.memory_space<semaphore_mem>>)
      } else {
      }
      %jit3A_132 = arith.constant 4 : i32
      %eq3A_133 = arith.constant 0 : i32
      %eq3A_134 = arith.cmpi eq, %jit3A_132, %eq3A_133 : i32
      %jit3A_135 = arith.constant 1 : i32
      %select_n3A_136 = arith.select %eq3A_134, %jit3A_135, %jit3A_132 : i32
      %rem3A_137 = arith.remsi %scan3A_116, %select_n3A_136 : i32
      %ne3A_138 = arith.constant 0 : i32
      %ne3A_139 = arith.cmpi ne, %rem3A_137, %ne3A_138 : i32
      %lt3A_140 = arith.constant 0 : i32
      %lt3A_141 = arith.cmpi slt, %rem3A_137, %lt3A_140 : i32
      %lt3A_142 = arith.constant 0 : i32
      %lt3A_143 = arith.cmpi slt, %select_n3A_136, %lt3A_142 : i32
      %ne3A_144 = arith.xori %lt3A_141, %lt3A_143 : i1
      %and3A_145 = arith.andi %ne3A_144, %ne3A_139 : i1
      %add3A_146 = arith.addi %rem3A_137, %select_n3A_136 : i32
      %select_n3A_147 = arith.select %and3A_145, %add3A_146, %rem3A_137 : i32
      %eq3A_148 = arith.constant 0 : i32
      %eq3A_149 = arith.cmpi eq, %select_n3A_147, %eq3A_148 : i32
      %convert_element_type3A_150 = arith.extui %eq3A_149 : i1 to i32
      %cond3A_151 = arith.constant 0 : i32
      %cond3A_152 = arith.cmpi ne, %convert_element_type3A_150, %cond3A_151 : i32
      scf.if %cond3A_152 {
        %dma_wait3A_291 = arith.constant 0 : i32
        %dma_wait3A_292 = arith.constant 0 : i32
        %dma_wait3A_293 = tpu.memref_slice %arg6[%dma_wait3A_291, %dma_wait3A_292] : memref<65536x1024xf32, #tpu.memory_space<hbm>> -> memref<16x1024xf32, #tpu.memory_space<hbm>>
        %dma_wait3A_294 = arith.constant 0 : i32
        %dma_wait3A_295 = arith.constant 0 : i32
        %dma_wait3A_296 = tpu.memref_slice %arg6[%dma_wait3A_294, %dma_wait3A_295] : memref<65536x1024xf32, #tpu.memory_space<hbm>> -> memref<16x1024xf32, #tpu.memory_space<hbm>>
        tpu.wait_dma2 semaphore(%arg13 : memref<!tpu.dma_semaphore, #tpu.memory_space<semaphore_mem>>) src(%arg9 : memref<16x1024xf32, #tpu.memory_space<vmem>>) dst(%dma_wait3A_296 : memref<16x1024xf32, #tpu.memory_space<hbm>>)
        %mul3A_297 = arith.constant 16 : i32
        %mul3A_298 = arith.muli %scan3A_116, %mul3A_297 : i32
        %add3A_299 = arith.addi %add3A_4, %mul3A_298 : i32
        %dma_start3A_300 = arith.constant 0 : i32
        %dma_start3A_301 = tpu.memref_slice %arg6[%add3A_299, %dma_start3A_300] : memref<65536x1024xf32, #tpu.memory_space<hbm>> -> memref<16x1024xf32, #tpu.memory_space<hbm>>
        %dma_start3A_302 = arith.constant 0 : i32
        %dma_start3A_303 = tpu.memref_slice %arg6[%add3A_299, %dma_start3A_302] : memref<65536x1024xf32, #tpu.memory_space<hbm>> -> memref<16x1024xf32, #tpu.memory_space<hbm>>
        tpu.enqueue_dma source(%arg9 : memref<16x1024xf32, #tpu.memory_space<vmem>>) target(%dma_start3A_303 : memref<16x1024xf32, #tpu.memory_space<hbm>>) target_semaphore(%arg17 : memref<!tpu.dma_semaphore, #tpu.memory_space<semaphore_mem>>)
      } else {
      }
      %add3A_153 = arith.constant 4 : i32
      %add3A_154 = arith.addi %scan3A_116, %add3A_153 : i32
      %sub3A_155 = arith.constant 1 : i32
      %sub3A_156 = arith.subi %add3A_154, %sub3A_155 : i32
      %jit3A_157 = arith.constant 4 : i32
      %eq3A_158 = arith.constant 0 : i32
      %eq3A_159 = arith.cmpi eq, %jit3A_157, %eq3A_158 : i32
      %jit3A_160 = arith.constant 1 : i32
      %select_n3A_161 = arith.select %eq3A_159, %jit3A_160, %jit3A_157 : i32
      %rem3A_162 = arith.remsi %sub3A_156, %select_n3A_161 : i32
      %ne3A_163 = arith.constant 0 : i32
      %ne3A_164 = arith.cmpi ne, %rem3A_162, %ne3A_163 : i32
      %lt3A_165 = arith.constant 0 : i32
      %lt3A_166 = arith.cmpi slt, %rem3A_162, %lt3A_165 : i32
      %lt3A_167 = arith.constant 0 : i32
      %lt3A_168 = arith.cmpi slt, %select_n3A_161, %lt3A_167 : i32
      %ne3A_169 = arith.xori %lt3A_166, %lt3A_168 : i1
      %and3A_170 = arith.andi %ne3A_169, %ne3A_164 : i1
      %add3A_171 = arith.addi %rem3A_162, %select_n3A_161 : i32
      %select_n3A_172 = arith.select %and3A_170, %add3A_171, %rem3A_162 : i32
      %eq3A_173 = arith.constant 1 : i32
      %eq3A_174 = arith.cmpi eq, %select_n3A_172, %eq3A_173 : i32
      %convert_element_type3A_175 = arith.extui %eq3A_174 : i1 to i32
      %cond3A_176 = arith.constant 0 : i32
      %cond3A_177 = arith.cmpi ne, %convert_element_type3A_175, %cond3A_176 : i32
      scf.if %cond3A_177 {
        %ge3A = arith.constant 1 : i32
        %ge3A_291 = arith.cmpi sge, %scan3A_116, %ge3A : i32
        %convert_element_type3A_292 = arith.extui %ge3A_291 : i1 to i32
        %cond3A_293 = arith.constant 0 : i32
        %cond3A_294 = arith.cmpi ne, %convert_element_type3A_292, %cond3A_293 : i32
        scf.if %cond3A_294 {
          %dma_wait3A_315 = arith.constant 0 : i32
          %dma_wait3A_316 = arith.constant 0 : i32
          %dma_wait3A_317 = tpu.memref_slice %arg6[%dma_wait3A_315, %dma_wait3A_316] : memref<65536x1024xf32, #tpu.memory_space<hbm>> -> memref<16x1024xf32, #tpu.memory_space<hbm>>
          %dma_wait3A_318 = arith.constant 0 : i32
          %dma_wait3A_319 = arith.constant 0 : i32
          %dma_wait3A_320 = tpu.memref_slice %arg6[%dma_wait3A_318, %dma_wait3A_319] : memref<65536x1024xf32, #tpu.memory_space<hbm>> -> memref<16x1024xf32, #tpu.memory_space<hbm>>
          tpu.wait_dma2 semaphore(%arg18 : memref<!tpu.dma_semaphore, #tpu.memory_space<semaphore_mem>>) src(%arg10 : memref<16x1024xf32, #tpu.memory_space<vmem>>) dst(%dma_wait3A_320 : memref<16x1024xf32, #tpu.memory_space<hbm>>)
        } else {
        }
        %add3A_295 = arith.constant 4 : i32
        %add3A_296 = arith.addi %scan3A_116, %add3A_295 : i32
        %sub3A_297 = arith.constant 1 : i32
        %sub3A_298 = arith.subi %add3A_296, %sub3A_297 : i32
        %mul3A_299 = arith.constant 16 : i32
        %mul3A_300 = arith.muli %sub3A_298, %mul3A_299 : i32
        %dma_start3A_301 = arith.constant 0 : i32
        %dma_start3A_302 = arith.constant 0 : i32
        %dma_start3A_303 = tpu.memref_slice %arg10[%dma_start3A_301, %dma_start3A_302] : memref<16x1024xf32, #tpu.memory_space<vmem>> -> memref<16x512xf32, #tpu.memory_space<vmem>>
        %dma_start3A_304 = tpu.memref_slice %arg7[%mul3A_300] : memref<1024xi32, #tpu.memory_space<vmem>> -> memref<16xi32, #tpu.memory_space<vmem>>
        %dma_start3A_305 = arith.constant 0 : i32
        %dma_start3A_306 = arith.constant 0 : i32
        %dma_start3A_307 = tpu.memref_slice %arg4[%dma_start3A_305, %dma_start3A_306] : memref<4096x512xf32, #tpu.memory_space<hbm>> -> memref<4096x512xf32, #tpu.memory_space<hbm>>
        tpu.enqueue_indirect_dma source(%dma_start3A_307 : memref<4096x512xf32, #tpu.memory_space<hbm>>) target(%dma_start3A_303 : memref<16x512xf32, #tpu.memory_space<vmem>>) offsets(%dma_start3A_304 : memref<16xi32, #tpu.memory_space<vmem>>) semaphore(%arg14 : memref<!tpu.dma_semaphore, #tpu.memory_space<semaphore_mem>>)
        %dma_start3A_308 = arith.constant 0 : i32
        %dma_start3A_309 = arith.constant 512 : i32
        %dma_start3A_310 = tpu.memref_slice %arg10[%dma_start3A_308, %dma_start3A_309] : memref<16x1024xf32, #tpu.memory_space<vmem>> -> memref<16x512xf32, #tpu.memory_space<vmem>>
        %dma_start3A_311 = tpu.memref_slice %arg8[%mul3A_300] : memref<1024xi32, #tpu.memory_space<vmem>> -> memref<16xi32, #tpu.memory_space<vmem>>
        %dma_start3A_312 = arith.constant 0 : i32
        %dma_start3A_313 = arith.constant 0 : i32
        %dma_start3A_314 = tpu.memref_slice %arg5[%dma_start3A_312, %dma_start3A_313] : memref<4096x512xf32, #tpu.memory_space<hbm>> -> memref<4096x512xf32, #tpu.memory_space<hbm>>
        tpu.enqueue_indirect_dma source(%dma_start3A_314 : memref<4096x512xf32, #tpu.memory_space<hbm>>) target(%dma_start3A_310 : memref<16x512xf32, #tpu.memory_space<vmem>>) offsets(%dma_start3A_311 : memref<16xi32, #tpu.memory_space<vmem>>) semaphore(%arg14 : memref<!tpu.dma_semaphore, #tpu.memory_space<semaphore_mem>>)
      } else {
      }
      %jit3A_178 = arith.constant 4 : i32
      %eq3A_179 = arith.constant 0 : i32
      %eq3A_180 = arith.cmpi eq, %jit3A_178, %eq3A_179 : i32
      %jit3A_181 = arith.constant 1 : i32
      %select_n3A_182 = arith.select %eq3A_180, %jit3A_181, %jit3A_178 : i32
      %rem3A_183 = arith.remsi %scan3A_116, %select_n3A_182 : i32
      %ne3A_184 = arith.constant 0 : i32
      %ne3A_185 = arith.cmpi ne, %rem3A_183, %ne3A_184 : i32
      %lt3A_186 = arith.constant 0 : i32
      %lt3A_187 = arith.cmpi slt, %rem3A_183, %lt3A_186 : i32
      %lt3A_188 = arith.constant 0 : i32
      %lt3A_189 = arith.cmpi slt, %select_n3A_182, %lt3A_188 : i32
      %ne3A_190 = arith.xori %lt3A_187, %lt3A_189 : i1
      %and3A_191 = arith.andi %ne3A_190, %ne3A_185 : i1
      %add3A_192 = arith.addi %rem3A_183, %select_n3A_182 : i32
      %select_n3A_193 = arith.select %and3A_191, %add3A_192, %rem3A_183 : i32
      %eq3A_194 = arith.constant 1 : i32
      %eq3A_195 = arith.cmpi eq, %select_n3A_193, %eq3A_194 : i32
      %convert_element_type3A_196 = arith.extui %eq3A_195 : i1 to i32
      %cond3A_197 = arith.constant 0 : i32
      %cond3A_198 = arith.cmpi ne, %convert_element_type3A_196, %cond3A_197 : i32
      scf.if %cond3A_198 {
        %dma_wait3A_291 = arith.constant 0 : i32
        %dma_wait3A_292 = arith.constant 0 : i32
        %dma_wait3A_293 = tpu.memref_slice %arg6[%dma_wait3A_291, %dma_wait3A_292] : memref<65536x1024xf32, #tpu.memory_space<hbm>> -> memref<16x1024xf32, #tpu.memory_space<hbm>>
        %dma_wait3A_294 = arith.constant 0 : i32
        %dma_wait3A_295 = arith.constant 0 : i32
        %dma_wait3A_296 = tpu.memref_slice %arg6[%dma_wait3A_294, %dma_wait3A_295] : memref<65536x1024xf32, #tpu.memory_space<hbm>> -> memref<16x1024xf32, #tpu.memory_space<hbm>>
        tpu.wait_dma2 semaphore(%arg14 : memref<!tpu.dma_semaphore, #tpu.memory_space<semaphore_mem>>) src(%arg10 : memref<16x1024xf32, #tpu.memory_space<vmem>>) dst(%dma_wait3A_296 : memref<16x1024xf32, #tpu.memory_space<hbm>>)
        %mul3A_297 = arith.constant 16 : i32
        %mul3A_298 = arith.muli %scan3A_116, %mul3A_297 : i32
        %add3A_299 = arith.addi %add3A_4, %mul3A_298 : i32
        %dma_start3A_300 = arith.constant 0 : i32
        %dma_start3A_301 = tpu.memref_slice %arg6[%add3A_299, %dma_start3A_300] : memref<65536x1024xf32, #tpu.memory_space<hbm>> -> memref<16x1024xf32, #tpu.memory_space<hbm>>
        %dma_start3A_302 = arith.constant 0 : i32
        %dma_start3A_303 = tpu.memref_slice %arg6[%add3A_299, %dma_start3A_302] : memref<65536x1024xf32, #tpu.memory_space<hbm>> -> memref<16x1024xf32, #tpu.memory_space<hbm>>
        tpu.enqueue_dma source(%arg10 : memref<16x1024xf32, #tpu.memory_space<vmem>>) target(%dma_start3A_303 : memref<16x1024xf32, #tpu.memory_space<hbm>>) target_semaphore(%arg18 : memref<!tpu.dma_semaphore, #tpu.memory_space<semaphore_mem>>)
      } else {
      }
      %add3A_199 = arith.constant 4 : i32
      %add3A_200 = arith.addi %scan3A_116, %add3A_199 : i32
      %sub3A_201 = arith.constant 1 : i32
      %sub3A_202 = arith.subi %add3A_200, %sub3A_201 : i32
      %jit3A_203 = arith.constant 4 : i32
      %eq3A_204 = arith.constant 0 : i32
      %eq3A_205 = arith.cmpi eq, %jit3A_203, %eq3A_204 : i32
      %jit3A_206 = arith.constant 1 : i32
      %select_n3A_207 = arith.select %eq3A_205, %jit3A_206, %jit3A_203 : i32
      %rem3A_208 = arith.remsi %sub3A_202, %select_n3A_207 : i32
      %ne3A_209 = arith.constant 0 : i32
      %ne3A_210 = arith.cmpi ne, %rem3A_208, %ne3A_209 : i32
      %lt3A_211 = arith.constant 0 : i32
      %lt3A_212 = arith.cmpi slt, %rem3A_208, %lt3A_211 : i32
      %lt3A_213 = arith.constant 0 : i32
      %lt3A_214 = arith.cmpi slt, %select_n3A_207, %lt3A_213 : i32
      %ne3A_215 = arith.xori %lt3A_212, %lt3A_214 : i1
      %and3A_216 = arith.andi %ne3A_215, %ne3A_210 : i1
      %add3A_217 = arith.addi %rem3A_208, %select_n3A_207 : i32
      %select_n3A_218 = arith.select %and3A_216, %add3A_217, %rem3A_208 : i32
      %eq3A_219 = arith.constant 2 : i32
      %eq3A_220 = arith.cmpi eq, %select_n3A_218, %eq3A_219 : i32
      %convert_element_type3A_221 = arith.extui %eq3A_220 : i1 to i32
      %cond3A_222 = arith.constant 0 : i32
      %cond3A_223 = arith.cmpi ne, %convert_element_type3A_221, %cond3A_222 : i32
      scf.if %cond3A_223 {
        %ge3A = arith.constant 1 : i32
        %ge3A_291 = arith.cmpi sge, %scan3A_116, %ge3A : i32
        %convert_element_type3A_292 = arith.extui %ge3A_291 : i1 to i32
        %cond3A_293 = arith.constant 0 : i32
        %cond3A_294 = arith.cmpi ne, %convert_element_type3A_292, %cond3A_293 : i32
        scf.if %cond3A_294 {
          %dma_wait3A_315 = arith.constant 0 : i32
          %dma_wait3A_316 = arith.constant 0 : i32
          %dma_wait3A_317 = tpu.memref_slice %arg6[%dma_wait3A_315, %dma_wait3A_316] : memref<65536x1024xf32, #tpu.memory_space<hbm>> -> memref<16x1024xf32, #tpu.memory_space<hbm>>
          %dma_wait3A_318 = arith.constant 0 : i32
          %dma_wait3A_319 = arith.constant 0 : i32
          %dma_wait3A_320 = tpu.memref_slice %arg6[%dma_wait3A_318, %dma_wait3A_319] : memref<65536x1024xf32, #tpu.memory_space<hbm>> -> memref<16x1024xf32, #tpu.memory_space<hbm>>
          tpu.wait_dma2 semaphore(%arg19 : memref<!tpu.dma_semaphore, #tpu.memory_space<semaphore_mem>>) src(%arg11 : memref<16x1024xf32, #tpu.memory_space<vmem>>) dst(%dma_wait3A_320 : memref<16x1024xf32, #tpu.memory_space<hbm>>)
        } else {
        }
        %add3A_295 = arith.constant 4 : i32
        %add3A_296 = arith.addi %scan3A_116, %add3A_295 : i32
        %sub3A_297 = arith.constant 1 : i32
        %sub3A_298 = arith.subi %add3A_296, %sub3A_297 : i32
        %mul3A_299 = arith.constant 16 : i32
        %mul3A_300 = arith.muli %sub3A_298, %mul3A_299 : i32
        %dma_start3A_301 = arith.constant 0 : i32
        %dma_start3A_302 = arith.constant 0 : i32
        %dma_start3A_303 = tpu.memref_slice %arg11[%dma_start3A_301, %dma_start3A_302] : memref<16x1024xf32, #tpu.memory_space<vmem>> -> memref<16x512xf32, #tpu.memory_space<vmem>>
        %dma_start3A_304 = tpu.memref_slice %arg7[%mul3A_300] : memref<1024xi32, #tpu.memory_space<vmem>> -> memref<16xi32, #tpu.memory_space<vmem>>
        %dma_start3A_305 = arith.constant 0 : i32
        %dma_start3A_306 = arith.constant 0 : i32
        %dma_start3A_307 = tpu.memref_slice %arg4[%dma_start3A_305, %dma_start3A_306] : memref<4096x512xf32, #tpu.memory_space<hbm>> -> memref<4096x512xf32, #tpu.memory_space<hbm>>
        tpu.enqueue_indirect_dma source(%dma_start3A_307 : memref<4096x512xf32, #tpu.memory_space<hbm>>) target(%dma_start3A_303 : memref<16x512xf32, #tpu.memory_space<vmem>>) offsets(%dma_start3A_304 : memref<16xi32, #tpu.memory_space<vmem>>) semaphore(%arg15 : memref<!tpu.dma_semaphore, #tpu.memory_space<semaphore_mem>>)
        %dma_start3A_308 = arith.constant 0 : i32
        %dma_start3A_309 = arith.constant 512 : i32
        %dma_start3A_310 = tpu.memref_slice %arg11[%dma_start3A_308, %dma_start3A_309] : memref<16x1024xf32, #tpu.memory_space<vmem>> -> memref<16x512xf32, #tpu.memory_space<vmem>>
        %dma_start3A_311 = tpu.memref_slice %arg8[%mul3A_300] : memref<1024xi32, #tpu.memory_space<vmem>> -> memref<16xi32, #tpu.memory_space<vmem>>
        %dma_start3A_312 = arith.constant 0 : i32
        %dma_start3A_313 = arith.constant 0 : i32
        %dma_start3A_314 = tpu.memref_slice %arg5[%dma_start3A_312, %dma_start3A_313] : memref<4096x512xf32, #tpu.memory_space<hbm>> -> memref<4096x512xf32, #tpu.memory_space<hbm>>
        tpu.enqueue_indirect_dma source(%dma_start3A_314 : memref<4096x512xf32, #tpu.memory_space<hbm>>) target(%dma_start3A_310 : memref<16x512xf32, #tpu.memory_space<vmem>>) offsets(%dma_start3A_311 : memref<16xi32, #tpu.memory_space<vmem>>) semaphore(%arg15 : memref<!tpu.dma_semaphore, #tpu.memory_space<semaphore_mem>>)
      } else {
      }
      %jit3A_224 = arith.constant 4 : i32
      %eq3A_225 = arith.constant 0 : i32
      %eq3A_226 = arith.cmpi eq, %jit3A_224, %eq3A_225 : i32
      %jit3A_227 = arith.constant 1 : i32
      %select_n3A_228 = arith.select %eq3A_226, %jit3A_227, %jit3A_224 : i32
      %rem3A_229 = arith.remsi %scan3A_116, %select_n3A_228 : i32
      %ne3A_230 = arith.constant 0 : i32
      %ne3A_231 = arith.cmpi ne, %rem3A_229, %ne3A_230 : i32
      %lt3A_232 = arith.constant 0 : i32
      %lt3A_233 = arith.cmpi slt, %rem3A_229, %lt3A_232 : i32
      %lt3A_234 = arith.constant 0 : i32
      %lt3A_235 = arith.cmpi slt, %select_n3A_228, %lt3A_234 : i32
      %ne3A_236 = arith.xori %lt3A_233, %lt3A_235 : i1
      %and3A_237 = arith.andi %ne3A_236, %ne3A_231 : i1
      %add3A_238 = arith.addi %rem3A_229, %select_n3A_228 : i32
      %select_n3A_239 = arith.select %and3A_237, %add3A_238, %rem3A_229 : i32
      %eq3A_240 = arith.constant 2 : i32
      %eq3A_241 = arith.cmpi eq, %select_n3A_239, %eq3A_240 : i32
      %convert_element_type3A_242 = arith.extui %eq3A_241 : i1 to i32
      %cond3A_243 = arith.constant 0 : i32
      %cond3A_244 = arith.cmpi ne, %convert_element_type3A_242, %cond3A_243 : i32
      scf.if %cond3A_244 {
        %dma_wait3A_291 = arith.constant 0 : i32
        %dma_wait3A_292 = arith.constant 0 : i32
        %dma_wait3A_293 = tpu.memref_slice %arg6[%dma_wait3A_291, %dma_wait3A_292] : memref<65536x1024xf32, #tpu.memory_space<hbm>> -> memref<16x1024xf32, #tpu.memory_space<hbm>>
        %dma_wait3A_294 = arith.constant 0 : i32
        %dma_wait3A_295 = arith.constant 0 : i32
        %dma_wait3A_296 = tpu.memref_slice %arg6[%dma_wait3A_294, %dma_wait3A_295] : memref<65536x1024xf32, #tpu.memory_space<hbm>> -> memref<16x1024xf32, #tpu.memory_space<hbm>>
        tpu.wait_dma2 semaphore(%arg15 : memref<!tpu.dma_semaphore, #tpu.memory_space<semaphore_mem>>) src(%arg11 : memref<16x1024xf32, #tpu.memory_space<vmem>>) dst(%dma_wait3A_296 : memref<16x1024xf32, #tpu.memory_space<hbm>>)
        %mul3A_297 = arith.constant 16 : i32
        %mul3A_298 = arith.muli %scan3A_116, %mul3A_297 : i32
        %add3A_299 = arith.addi %add3A_4, %mul3A_298 : i32
        %dma_start3A_300 = arith.constant 0 : i32
        %dma_start3A_301 = tpu.memref_slice %arg6[%add3A_299, %dma_start3A_300] : memref<65536x1024xf32, #tpu.memory_space<hbm>> -> memref<16x1024xf32, #tpu.memory_space<hbm>>
        %dma_start3A_302 = arith.constant 0 : i32
        %dma_start3A_303 = tpu.memref_slice %arg6[%add3A_299, %dma_start3A_302] : memref<65536x1024xf32, #tpu.memory_space<hbm>> -> memref<16x1024xf32, #tpu.memory_space<hbm>>
        tpu.enqueue_dma source(%arg11 : memref<16x1024xf32, #tpu.memory_space<vmem>>) target(%dma_start3A_303 : memref<16x1024xf32, #tpu.memory_space<hbm>>) target_semaphore(%arg19 : memref<!tpu.dma_semaphore, #tpu.memory_space<semaphore_mem>>)
      } else {
      }
      %add3A_245 = arith.constant 4 : i32
      %add3A_246 = arith.addi %scan3A_116, %add3A_245 : i32
      %sub3A_247 = arith.constant 1 : i32
      %sub3A_248 = arith.subi %add3A_246, %sub3A_247 : i32
      %jit3A_249 = arith.constant 4 : i32
      %eq3A_250 = arith.constant 0 : i32
      %eq3A_251 = arith.cmpi eq, %jit3A_249, %eq3A_250 : i32
      %jit3A_252 = arith.constant 1 : i32
      %select_n3A_253 = arith.select %eq3A_251, %jit3A_252, %jit3A_249 : i32
      %rem3A_254 = arith.remsi %sub3A_248, %select_n3A_253 : i32
      %ne3A_255 = arith.constant 0 : i32
      %ne3A_256 = arith.cmpi ne, %rem3A_254, %ne3A_255 : i32
      %lt3A_257 = arith.constant 0 : i32
      %lt3A_258 = arith.cmpi slt, %rem3A_254, %lt3A_257 : i32
      %lt3A_259 = arith.constant 0 : i32
      %lt3A_260 = arith.cmpi slt, %select_n3A_253, %lt3A_259 : i32
      %ne3A_261 = arith.xori %lt3A_258, %lt3A_260 : i1
      %and3A_262 = arith.andi %ne3A_261, %ne3A_256 : i1
      %add3A_263 = arith.addi %rem3A_254, %select_n3A_253 : i32
      %select_n3A_264 = arith.select %and3A_262, %add3A_263, %rem3A_254 : i32
      %eq3A_265 = arith.constant 3 : i32
      %eq3A_266 = arith.cmpi eq, %select_n3A_264, %eq3A_265 : i32
      %convert_element_type3A_267 = arith.extui %eq3A_266 : i1 to i32
      %cond3A_268 = arith.constant 0 : i32
      %cond3A_269 = arith.cmpi ne, %convert_element_type3A_267, %cond3A_268 : i32
      scf.if %cond3A_269 {
        %ge3A = arith.constant 1 : i32
        %ge3A_291 = arith.cmpi sge, %scan3A_116, %ge3A : i32
        %convert_element_type3A_292 = arith.extui %ge3A_291 : i1 to i32
        %cond3A_293 = arith.constant 0 : i32
        %cond3A_294 = arith.cmpi ne, %convert_element_type3A_292, %cond3A_293 : i32
        scf.if %cond3A_294 {
          %dma_wait3A_315 = arith.constant 0 : i32
          %dma_wait3A_316 = arith.constant 0 : i32
          %dma_wait3A_317 = tpu.memref_slice %arg6[%dma_wait3A_315, %dma_wait3A_316] : memref<65536x1024xf32, #tpu.memory_space<hbm>> -> memref<16x1024xf32, #tpu.memory_space<hbm>>
          %dma_wait3A_318 = arith.constant 0 : i32
          %dma_wait3A_319 = arith.constant 0 : i32
          %dma_wait3A_320 = tpu.memref_slice %arg6[%dma_wait3A_318, %dma_wait3A_319] : memref<65536x1024xf32, #tpu.memory_space<hbm>> -> memref<16x1024xf32, #tpu.memory_space<hbm>>
          tpu.wait_dma2 semaphore(%arg20 : memref<!tpu.dma_semaphore, #tpu.memory_space<semaphore_mem>>) src(%arg12 : memref<16x1024xf32, #tpu.memory_space<vmem>>) dst(%dma_wait3A_320 : memref<16x1024xf32, #tpu.memory_space<hbm>>)
        } else {
        }
        %add3A_295 = arith.constant 4 : i32
        %add3A_296 = arith.addi %scan3A_116, %add3A_295 : i32
        %sub3A_297 = arith.constant 1 : i32
        %sub3A_298 = arith.subi %add3A_296, %sub3A_297 : i32
        %mul3A_299 = arith.constant 16 : i32
        %mul3A_300 = arith.muli %sub3A_298, %mul3A_299 : i32
        %dma_start3A_301 = arith.constant 0 : i32
        %dma_start3A_302 = arith.constant 0 : i32
        %dma_start3A_303 = tpu.memref_slice %arg12[%dma_start3A_301, %dma_start3A_302] : memref<16x1024xf32, #tpu.memory_space<vmem>> -> memref<16x512xf32, #tpu.memory_space<vmem>>
        %dma_start3A_304 = tpu.memref_slice %arg7[%mul3A_300] : memref<1024xi32, #tpu.memory_space<vmem>> -> memref<16xi32, #tpu.memory_space<vmem>>
        %dma_start3A_305 = arith.constant 0 : i32
        %dma_start3A_306 = arith.constant 0 : i32
        %dma_start3A_307 = tpu.memref_slice %arg4[%dma_start3A_305, %dma_start3A_306] : memref<4096x512xf32, #tpu.memory_space<hbm>> -> memref<4096x512xf32, #tpu.memory_space<hbm>>
        tpu.enqueue_indirect_dma source(%dma_start3A_307 : memref<4096x512xf32, #tpu.memory_space<hbm>>) target(%dma_start3A_303 : memref<16x512xf32, #tpu.memory_space<vmem>>) offsets(%dma_start3A_304 : memref<16xi32, #tpu.memory_space<vmem>>) semaphore(%arg16 : memref<!tpu.dma_semaphore, #tpu.memory_space<semaphore_mem>>)
        %dma_start3A_308 = arith.constant 0 : i32
        %dma_start3A_309 = arith.constant 512 : i32
        %dma_start3A_310 = tpu.memref_slice %arg12[%dma_start3A_308, %dma_start3A_309] : memref<16x1024xf32, #tpu.memory_space<vmem>> -> memref<16x512xf32, #tpu.memory_space<vmem>>
        %dma_start3A_311 = tpu.memref_slice %arg8[%mul3A_300] : memref<1024xi32, #tpu.memory_space<vmem>> -> memref<16xi32, #tpu.memory_space<vmem>>
        %dma_start3A_312 = arith.constant 0 : i32
        %dma_start3A_313 = arith.constant 0 : i32
        %dma_start3A_314 = tpu.memref_slice %arg5[%dma_start3A_312, %dma_start3A_313] : memref<4096x512xf32, #tpu.memory_space<hbm>> -> memref<4096x512xf32, #tpu.memory_space<hbm>>
        tpu.enqueue_indirect_dma source(%dma_start3A_314 : memref<4096x512xf32, #tpu.memory_space<hbm>>) target(%dma_start3A_310 : memref<16x512xf32, #tpu.memory_space<vmem>>) offsets(%dma_start3A_311 : memref<16xi32, #tpu.memory_space<vmem>>) semaphore(%arg16 : memref<!tpu.dma_semaphore, #tpu.memory_space<semaphore_mem>>)
      } else {
      }
      %jit3A_270 = arith.constant 4 : i32
      %eq3A_271 = arith.constant 0 : i32
      %eq3A_272 = arith.cmpi eq, %jit3A_270, %eq3A_271 : i32
      %jit3A_273 = arith.constant 1 : i32
      %select_n3A_274 = arith.select %eq3A_272, %jit3A_273, %jit3A_270 : i32
      %rem3A_275 = arith.remsi %scan3A_116, %select_n3A_274 : i32
      %ne3A_276 = arith.constant 0 : i32
      %ne3A_277 = arith.cmpi ne, %rem3A_275, %ne3A_276 : i32
      %lt3A_278 = arith.constant 0 : i32
      %lt3A_279 = arith.cmpi slt, %rem3A_275, %lt3A_278 : i32
      %lt3A_280 = arith.constant 0 : i32
      %lt3A_281 = arith.cmpi slt, %select_n3A_274, %lt3A_280 : i32
      %ne3A_282 = arith.xori %lt3A_279, %lt3A_281 : i1
      %and3A_283 = arith.andi %ne3A_282, %ne3A_277 : i1
      %add3A_284 = arith.addi %rem3A_275, %select_n3A_274 : i32
      %select_n3A_285 = arith.select %and3A_283, %add3A_284, %rem3A_275 : i32
      %eq3A_286 = arith.constant 3 : i32
      %eq3A_287 = arith.cmpi eq, %select_n3A_285, %eq3A_286 : i32
      %convert_element_type3A_288 = arith.extui %eq3A_287 : i1 to i32
      %cond3A_289 = arith.constant 0 : i32
      %cond3A_290 = arith.cmpi ne, %convert_element_type3A_288, %cond3A_289 : i32
      scf.if %cond3A_290 {
        %dma_wait3A_291 = arith.constant 0 : i32
        %dma_wait3A_292 = arith.constant 0 : i32
        %dma_wait3A_293 = tpu.memref_slice %arg6[%dma_wait3A_291, %dma_wait3A_292] : memref<65536x1024xf32, #tpu.memory_space<hbm>> -> memref<16x1024xf32, #tpu.memory_space<hbm>>
        %dma_wait3A_294 = arith.constant 0 : i32
        %dma_wait3A_295 = arith.constant 0 : i32
        %dma_wait3A_296 = tpu.memref_slice %arg6[%dma_wait3A_294, %dma_wait3A_295] : memref<65536x1024xf32, #tpu.memory_space<hbm>> -> memref<16x1024xf32, #tpu.memory_space<hbm>>
        tpu.wait_dma2 semaphore(%arg16 : memref<!tpu.dma_semaphore, #tpu.memory_space<semaphore_mem>>) src(%arg12 : memref<16x1024xf32, #tpu.memory_space<vmem>>) dst(%dma_wait3A_296 : memref<16x1024xf32, #tpu.memory_space<hbm>>)
        %mul3A_297 = arith.constant 16 : i32
        %mul3A_298 = arith.muli %scan3A_116, %mul3A_297 : i32
        %add3A_299 = arith.addi %add3A_4, %mul3A_298 : i32
        %dma_start3A_300 = arith.constant 0 : i32
        %dma_start3A_301 = tpu.memref_slice %arg6[%add3A_299, %dma_start3A_300] : memref<65536x1024xf32, #tpu.memory_space<hbm>> -> memref<16x1024xf32, #tpu.memory_space<hbm>>
        %dma_start3A_302 = arith.constant 0 : i32
        %dma_start3A_303 = tpu.memref_slice %arg6[%add3A_299, %dma_start3A_302] : memref<65536x1024xf32, #tpu.memory_space<hbm>> -> memref<16x1024xf32, #tpu.memory_space<hbm>>
        tpu.enqueue_dma source(%arg12 : memref<16x1024xf32, #tpu.memory_space<vmem>>) target(%dma_start3A_303 : memref<16x1024xf32, #tpu.memory_space<hbm>>) target_semaphore(%arg20 : memref<!tpu.dma_semaphore, #tpu.memory_space<semaphore_mem>>)
      } else {
      }
    }
    %scan3A_56 = arith.constant 61 : i32
    %dma_wait3A = arith.constant 0 : i32
    %dma_wait3A_57 = arith.constant 0 : i32
    %dma_wait3A_58 = tpu.memref_slice %arg6[%dma_wait3A, %dma_wait3A_57] : memref<65536x1024xf32, #tpu.memory_space<hbm>> -> memref<16x1024xf32, #tpu.memory_space<hbm>>
    %dma_wait3A_59 = arith.constant 0 : i32
    %dma_wait3A_60 = arith.constant 0 : i32
    %dma_wait3A_61 = tpu.memref_slice %arg6[%dma_wait3A_59, %dma_wait3A_60] : memref<65536x1024xf32, #tpu.memory_space<hbm>> -> memref<16x1024xf32, #tpu.memory_space<hbm>>
    tpu.wait_dma2 semaphore(%arg14 : memref<!tpu.dma_semaphore, #tpu.memory_space<semaphore_mem>>) src(%arg10 : memref<16x1024xf32, #tpu.memory_space<vmem>>) dst(%dma_wait3A_61 : memref<16x1024xf32, #tpu.memory_space<hbm>>)
    %add3A_62 = arith.constant 976 : i32
    %add3A_63 = arith.addi %add3A_4, %add3A_62 : i32
    %dma_start3A_64 = arith.constant 0 : i32
    %dma_start3A_65 = tpu.memref_slice %arg6[%add3A_63, %dma_start3A_64] : memref<65536x1024xf32, #tpu.memory_space<hbm>> -> memref<16x1024xf32, #tpu.memory_space<hbm>>
    %dma_start3A_66 = arith.constant 0 : i32
    %dma_start3A_67 = tpu.memref_slice %arg6[%add3A_63, %dma_start3A_66] : memref<65536x1024xf32, #tpu.memory_space<hbm>> -> memref<16x1024xf32, #tpu.memory_space<hbm>>
    tpu.enqueue_dma source(%arg10 : memref<16x1024xf32, #tpu.memory_space<vmem>>) target(%dma_start3A_67 : memref<16x1024xf32, #tpu.memory_space<hbm>>) target_semaphore(%arg18 : memref<!tpu.dma_semaphore, #tpu.memory_space<semaphore_mem>>)
    %dma_wait3A_68 = arith.constant 0 : i32
    %dma_wait3A_69 = arith.constant 0 : i32
    %dma_wait3A_70 = tpu.memref_slice %arg6[%dma_wait3A_68, %dma_wait3A_69] : memref<65536x1024xf32, #tpu.memory_space<hbm>> -> memref<16x1024xf32, #tpu.memory_space<hbm>>
    %dma_wait3A_71 = arith.constant 0 : i32
    %dma_wait3A_72 = arith.constant 0 : i32
    %dma_wait3A_73 = tpu.memref_slice %arg6[%dma_wait3A_71, %dma_wait3A_72] : memref<65536x1024xf32, #tpu.memory_space<hbm>> -> memref<16x1024xf32, #tpu.memory_space<hbm>>
    tpu.wait_dma2 semaphore(%arg15 : memref<!tpu.dma_semaphore, #tpu.memory_space<semaphore_mem>>) src(%arg11 : memref<16x1024xf32, #tpu.memory_space<vmem>>) dst(%dma_wait3A_73 : memref<16x1024xf32, #tpu.memory_space<hbm>>)
    %add3A_74 = arith.constant 992 : i32
    %add3A_75 = arith.addi %add3A_4, %add3A_74 : i32
    %dma_start3A_76 = arith.constant 0 : i32
    %dma_start3A_77 = tpu.memref_slice %arg6[%add3A_75, %dma_start3A_76] : memref<65536x1024xf32, #tpu.memory_space<hbm>> -> memref<16x1024xf32, #tpu.memory_space<hbm>>
    %dma_start3A_78 = arith.constant 0 : i32
    %dma_start3A_79 = tpu.memref_slice %arg6[%add3A_75, %dma_start3A_78] : memref<65536x1024xf32, #tpu.memory_space<hbm>> -> memref<16x1024xf32, #tpu.memory_space<hbm>>
    tpu.enqueue_dma source(%arg11 : memref<16x1024xf32, #tpu.memory_space<vmem>>) target(%dma_start3A_79 : memref<16x1024xf32, #tpu.memory_space<hbm>>) target_semaphore(%arg19 : memref<!tpu.dma_semaphore, #tpu.memory_space<semaphore_mem>>)
    %dma_wait3A_80 = arith.constant 0 : i32
    %dma_wait3A_81 = arith.constant 0 : i32
    %dma_wait3A_82 = tpu.memref_slice %arg6[%dma_wait3A_80, %dma_wait3A_81] : memref<65536x1024xf32, #tpu.memory_space<hbm>> -> memref<16x1024xf32, #tpu.memory_space<hbm>>
    %dma_wait3A_83 = arith.constant 0 : i32
    %dma_wait3A_84 = arith.constant 0 : i32
    %dma_wait3A_85 = tpu.memref_slice %arg6[%dma_wait3A_83, %dma_wait3A_84] : memref<65536x1024xf32, #tpu.memory_space<hbm>> -> memref<16x1024xf32, #tpu.memory_space<hbm>>
    tpu.wait_dma2 semaphore(%arg16 : memref<!tpu.dma_semaphore, #tpu.memory_space<semaphore_mem>>) src(%arg12 : memref<16x1024xf32, #tpu.memory_space<vmem>>) dst(%dma_wait3A_85 : memref<16x1024xf32, #tpu.memory_space<hbm>>)
    %add3A_86 = arith.constant 1008 : i32
    %add3A_87 = arith.addi %add3A_4, %add3A_86 : i32
    %dma_start3A_88 = arith.constant 0 : i32
    %dma_start3A_89 = tpu.memref_slice %arg6[%add3A_87, %dma_start3A_88] : memref<65536x1024xf32, #tpu.memory_space<hbm>> -> memref<16x1024xf32, #tpu.memory_space<hbm>>
    %dma_start3A_90 = arith.constant 0 : i32
    %dma_start3A_91 = tpu.memref_slice %arg6[%add3A_87, %dma_start3A_90] : memref<65536x1024xf32, #tpu.memory_space<hbm>> -> memref<16x1024xf32, #tpu.memory_space<hbm>>
    tpu.enqueue_dma source(%arg12 : memref<16x1024xf32, #tpu.memory_space<vmem>>) target(%dma_start3A_91 : memref<16x1024xf32, #tpu.memory_space<hbm>>) target_semaphore(%arg20 : memref<!tpu.dma_semaphore, #tpu.memory_space<semaphore_mem>>)
    %dma_wait3A_92 = arith.constant 0 : i32
    %dma_wait3A_93 = arith.constant 0 : i32
    %dma_wait3A_94 = tpu.memref_slice %arg6[%dma_wait3A_92, %dma_wait3A_93] : memref<65536x1024xf32, #tpu.memory_space<hbm>> -> memref<16x1024xf32, #tpu.memory_space<hbm>>
    %dma_wait3A_95 = arith.constant 0 : i32
    %dma_wait3A_96 = arith.constant 0 : i32
    %dma_wait3A_97 = tpu.memref_slice %arg6[%dma_wait3A_95, %dma_wait3A_96] : memref<65536x1024xf32, #tpu.memory_space<hbm>> -> memref<16x1024xf32, #tpu.memory_space<hbm>>
    tpu.wait_dma2 semaphore(%arg17 : memref<!tpu.dma_semaphore, #tpu.memory_space<semaphore_mem>>) src(%arg9 : memref<16x1024xf32, #tpu.memory_space<vmem>>) dst(%dma_wait3A_97 : memref<16x1024xf32, #tpu.memory_space<hbm>>)
    %dma_wait3A_98 = arith.constant 0 : i32
    %dma_wait3A_99 = arith.constant 0 : i32
    %dma_wait3A_100 = tpu.memref_slice %arg6[%dma_wait3A_98, %dma_wait3A_99] : memref<65536x1024xf32, #tpu.memory_space<hbm>> -> memref<16x1024xf32, #tpu.memory_space<hbm>>
    %dma_wait3A_101 = arith.constant 0 : i32
    %dma_wait3A_102 = arith.constant 0 : i32
    %dma_wait3A_103 = tpu.memref_slice %arg6[%dma_wait3A_101, %dma_wait3A_102] : memref<65536x1024xf32, #tpu.memory_space<hbm>> -> memref<16x1024xf32, #tpu.memory_space<hbm>>
    tpu.wait_dma2 semaphore(%arg18 : memref<!tpu.dma_semaphore, #tpu.memory_space<semaphore_mem>>) src(%arg10 : memref<16x1024xf32, #tpu.memory_space<vmem>>) dst(%dma_wait3A_103 : memref<16x1024xf32, #tpu.memory_space<hbm>>)
    %dma_wait3A_104 = arith.constant 0 : i32
    %dma_wait3A_105 = arith.constant 0 : i32
    %dma_wait3A_106 = tpu.memref_slice %arg6[%dma_wait3A_104, %dma_wait3A_105] : memref<65536x1024xf32, #tpu.memory_space<hbm>> -> memref<16x1024xf32, #tpu.memory_space<hbm>>
    %dma_wait3A_107 = arith.constant 0 : i32
    %dma_wait3A_108 = arith.constant 0 : i32
    %dma_wait3A_109 = tpu.memref_slice %arg6[%dma_wait3A_107, %dma_wait3A_108] : memref<65536x1024xf32, #tpu.memory_space<hbm>> -> memref<16x1024xf32, #tpu.memory_space<hbm>>
    tpu.wait_dma2 semaphore(%arg19 : memref<!tpu.dma_semaphore, #tpu.memory_space<semaphore_mem>>) src(%arg11 : memref<16x1024xf32, #tpu.memory_space<vmem>>) dst(%dma_wait3A_109 : memref<16x1024xf32, #tpu.memory_space<hbm>>)
    %dma_wait3A_110 = arith.constant 0 : i32
    %dma_wait3A_111 = arith.constant 0 : i32
    %dma_wait3A_112 = tpu.memref_slice %arg6[%dma_wait3A_110, %dma_wait3A_111] : memref<65536x1024xf32, #tpu.memory_space<hbm>> -> memref<16x1024xf32, #tpu.memory_space<hbm>>
    %dma_wait3A_113 = arith.constant 0 : i32
    %dma_wait3A_114 = arith.constant 0 : i32
    %dma_wait3A_115 = tpu.memref_slice %arg6[%dma_wait3A_113, %dma_wait3A_114] : memref<65536x1024xf32, #tpu.memory_space<hbm>> -> memref<16x1024xf32, #tpu.memory_space<hbm>>
    tpu.wait_dma2 semaphore(%arg20 : memref<!tpu.dma_semaphore, #tpu.memory_space<semaphore_mem>>) src(%arg12 : memref<16x1024xf32, #tpu.memory_space<vmem>>) dst(%dma_wait3A_115 : memref<16x1024xf32, #tpu.memory_space<hbm>>)
    return
  }
}

module attributes {stable_mosaic.version = 14 : i64} {
  func.func @_tc_body(%arg0: i32, %arg1: memref<3x2048xi32, #tpu.memory_space<vmem>>, %arg2: memref<192x1024xf32, #tpu.memory_space<vmem>>, %arg3: memref<65536x1024xf32, #tpu.memory_space<any>>, %arg4: memref<2048x1024xf32, #tpu.memory_space<vmem>>) attributes {dimension_semantics = [#tpu.dimension_semantics<arbitrary>], iteration_bounds = array<i64: 16>, scalar_prefetch = 0 : i64, scratch_operands = 0 : i64, tpu.core_type = #tpu.core_type<tc>, window_params = [{transform_indices = @transform_0, window_bounds = array<i64: 3, 2048>}, {pipeline_mode = #tpu.pipeline_mode<synchronous>, transform_indices = @transform_1, window_bounds = array<i64: 192, 1024>}, {}, {transform_indices = @transform_3, window_bounds = array<i64: 2048, 1024>}]} {
    %iota3A = tpu.iota {dimensions = array<i32: 1>} : vector<2048x192xi32>
    %get3A = arith.constant 0 : index
    %get3A_0 = arith.constant 0 : index
    %get3A_1 = vector.load %arg1[%get3A, %get3A_0] : memref<3x2048xi32, #tpu.memory_space<vmem>>, vector<1x2048xi32>
    %get3A_2 = vector.shape_cast %get3A_1 : vector<1x2048xi32> to vector<2048xi32>
    %broadcast_in_dim3A = vector.shape_cast %get3A_2 : vector<2048xi32> to vector<2048x1xi32>
    %eq3A = vector.broadcast %broadcast_in_dim3A : vector<2048x1xi32> to vector<2048x192xi32>
    %eq3A_3 = arith.cmpi eq, %eq3A, %iota3A : vector<2048x192xi32>
    %convert_element_type3A = arith.extui %eq3A_3 : vector<2048x192xi1> to vector<2048x192xi32>
    %convert_element_type3A_4 = arith.sitofp %convert_element_type3A : vector<2048x192xi32> to vector<2048x192xf32>
    %get3A_5 = arith.constant 1 : index
    %get3A_6 = arith.constant 0 : index
    %get3A_7 = vector.load %arg1[%get3A_5, %get3A_6] : memref<3x2048xi32, #tpu.memory_space<vmem>>, vector<1x2048xi32>
    %get3A_8 = vector.shape_cast %get3A_7 : vector<1x2048xi32> to vector<2048xi32>
    %broadcast_in_dim3A_9 = vector.shape_cast %get3A_8 : vector<2048xi32> to vector<2048x1xi32>
    %eq3A_10 = vector.broadcast %broadcast_in_dim3A_9 : vector<2048x1xi32> to vector<2048x192xi32>
    %eq3A_11 = arith.cmpi eq, %eq3A_10, %iota3A : vector<2048x192xi32>
    %convert_element_type3A_12 = arith.extui %eq3A_11 : vector<2048x192xi1> to vector<2048x192xi32>
    %convert_element_type3A_13 = arith.sitofp %convert_element_type3A_12 : vector<2048x192xi32> to vector<2048x192xf32>
    %add3A = arith.addf %convert_element_type3A_4, %convert_element_type3A_13 : vector<2048x192xf32>
    %get3A_14 = arith.constant 2 : index
    %get3A_15 = arith.constant 0 : index
    %get3A_16 = vector.load %arg1[%get3A_14, %get3A_15] : memref<3x2048xi32, #tpu.memory_space<vmem>>, vector<1x2048xi32>
    %get3A_17 = vector.shape_cast %get3A_16 : vector<1x2048xi32> to vector<2048xi32>
    %broadcast_in_dim3A_18 = vector.shape_cast %get3A_17 : vector<2048xi32> to vector<2048x1xi32>
    %eq3A_19 = vector.broadcast %broadcast_in_dim3A_18 : vector<2048x1xi32> to vector<2048x192xi32>
    %eq3A_20 = arith.cmpi eq, %eq3A_19, %iota3A : vector<2048x192xi32>
    %convert_element_type3A_21 = arith.extui %eq3A_20 : vector<2048x192xi1> to vector<2048x192xi32>
    %convert_element_type3A_22 = arith.sitofp %convert_element_type3A_21 : vector<2048x192xi32> to vector<2048x192xf32>
    %add3A_23 = arith.addf %add3A, %convert_element_type3A_22 : vector<2048x192xf32>
    %get3A_24 = arith.constant 0 : index
    %get3A_25 = arith.constant 0 : index
    %get3A_26 = vector.load %arg2[%get3A_24, %get3A_25] : memref<192x1024xf32, #tpu.memory_space<vmem>>, vector<192x1024xf32>
    %dot_general3A = arith.constant dense<0.000000e+00> : vector<2048x1024xf32>
    %dot_general3A_27 = tpu.matmul %add3A_23, %get3A_26, %dot_general3A {dimension_numbers = #tpu.dot_dimension_numbers<[1], [0], [0], [1], [0, 0, 1, 1], [], []>, transpose_lhs_hint = false} : vector<2048x192xf32>, vector<192x1024xf32>, vector<2048x1024xf32> -> vector<2048x1024xf32>
    %swap3A = arith.constant 0 : index
    %swap3A_28 = arith.constant 0 : index
    %swap3A_29 = vector.load %arg4[%swap3A, %swap3A_28] : memref<2048x1024xf32, #tpu.memory_space<vmem>>, vector<2048x1024xf32>
    tpu.vector_store %arg4[%swap3A, %swap3A_28], %dot_general3A_27 {strides = array<i32>} : memref<2048x1024xf32, #tpu.memory_space<vmem>>, vector<2048x1024xf32>,
    return
  }
  func.func @transform_0(%arg0: i32) -> (i32, i32) {
    %c0_i32 = arith.constant 0 : i32
    %c0_i32_0 = arith.constant 0 : i32
    return %c0_i32, %arg0 : i32, i32
  }
  func.func @transform_1(%arg0: i32) -> (i32, i32) {
    %c0_i32 = arith.constant 0 : i32
    %c0_i32_0 = arith.constant 0 : i32
    %c0_i32_1 = arith.constant 0 : i32
    return %c0_i32, %c0_i32_0 : i32, i32
  }
  func.func @transform_3(%arg0: i32) -> (i32, i32) {
    %c0_i32 = arith.constant 0 : i32
    %c0_i32_0 = arith.constant 0 : i32
    return %arg0, %c0_i32 : i32, i32
  }
}

</mosaic_0001>

<sc_bundles>
// kernel: kernel.4.cloned.1.call-start
scs
__scs_entry_jumppad:
0x0: {  	(pc) =	sbr.rel $0x88, $3  }
0x1: {  	(tag) =	ssettag $0x0;
	lr =	simm.s32 $0x1  }
0x2: {  	[smem:$0x3F9D] =	sst lr;
	_ =	strace $0xD0000000  }
0x3: {  	_ = 	snop  }
0x4: {  	_ = 	snop  }
0x5: {  	_ = 	snop  }
0x6: {  	_ = 	snop  }
0x7: {  	_ = 	snop  }
__scs_overlays_trampoline_lowered:
0x8: {  	[smem:$0x3FAC] =	sst s0  }
0x9: {  	[smem:$0x3FAD] =	sst s1  }
0xa: {  	[smem:$0x3FAE] =	sst s2  }
0xb: {  	[smem:$0x3FAF] =	sst s3  }
0xc: {  	[smem:$0x3FB0] =	sst s4  }
0xd: {  	[smem:$0x3FB1] =	sst s5  }
0xe: {  	[smem:$0x3FB2] =	sst s6  }
0xf: {  	[smem:$0x3FB3] =	sst s7  }
0x10: {  	[smem:$0x3FB4] =	sst s8  }
0x11: {  	[smem:$0x3FB5] =	sst s9;
	s0 =	simm.s32 @!p0 $0x0  }
0x12: {  	s1 =	sld [smem:$0x3F9B];
	s0 =	simm.s32 @p0 $0x1  }
0x13: {  	[smem:$0x3FB6] =	sst s0;
	s0 =	simm.s32 @!p1 $0x0  }
0x14: {  	s2 =	sld [smem:$0x3F9A];
	s0 =	simm.s32 @p1 $0x1  }
0x15: {  	[smem:$0x3FB7] =	sst s0;
	s0 =	simm.s32 @!p2 $0x0  }
0x16: {  	s3 =	sld [smem:$0x3FDB];
	s0 =	simm.s32 @p2 $0x1  }
0x17: {  	s4 =	simm.s32 $0x1BF5;
	[smem:$0x3FB9] =	sst s0  }
0x18: {  	s0 =	sld [smem:$0x3F9C];
	_ =	swait.ge [sflag:s4], $0x0  }
0x19: {  	s7 =	sld [smem:$0x3F9D]  }
0x1a: {  	s8 =	sadd.s32 $0xFFFFE003, lr  }
0x1b: {  	s9 =	sadd.s32 $0xFFFFFEF7, lr;
	s5 =	simm.s32 $0xFFFFFFFF;
	p2 =	slt.u32 s8, $0xFFFFF086  }
0x1c: {  	p1 =	slt.u32 s9, $0xF7A;
	s5 =	simm.s32 @!p2 $0x0  }
0x1d: {  	s5 =	simm.s32 @p1 $0x1;
	p0 =	seq.s32 s7, s2  }
0x1e: {  	s7 =	smul.u32 @!p0 $0xF7A, s2;
	p2 =	seq.s32 @!p0 s5, $0x0  }
0x1f: {  	s9 =	smul.u32 $0xF7A, s1;
	s8 =	simm.s32 @!p0 $0x1BF5;
	p2 =	por !p2, p0  }
0x20: {  	[sflag:s8] =	ssyncset.s32 @!p0 $0xFFFFF086;
	s6 =	sadd.s32 @!p0 s3, s7;
	s7 =	simm.s32 @!p0 $0x108  }
0x21: {  	s3 =	sadd.s32 s3, s9;
	s6 =	sadd.s32 @!p0 $0x88, s6;
	s7 =	simm.s32 @p2 $0x1082  }
0x22: {  	[simem:s7], [sflag:s8] =	dma.local @!p0 [hbm:s6], $0xF7A  }
0x23: {  	s9 =	sor.u32 $0xD0000000, s2;
	s6 =	simm.s32 $0x108;
	_ =	swait.ge @!p0 [sflag:s8], $0x0  }
0x24: {  	s3 =	sadd.s32 $0x88, s3;
	s6 =	simm.s32 @!p1 $0x1082;
	[sflag:s4] =	ssyncset.s32 $0xFFFFF086  }
0x25: {  	[simem:s6], [sflag:s4] =	dma.local [hbm:s3], $0xF7A  }
0x26: {  	[smem:$0x3F9D] =	sst s1;
	(tag) =	ssettag s2;
	_ =	strace s9  }
0x27: {  	s1 =	sld [smem:$0x3FAD]  }
0x28: {  	s2 =	sld [smem:$0x3FAE]  }
0x29: {  	s4 =	sld [smem:$0x3FB0]  }
0x2a: {  	p0 =	seq.s32 s5, $0x0;
	s5 =	sld [smem:$0x3FB1]  }
0x2b: {  	s6 =	sld [smem:$0x3FB2]  }
0x2c: {  	s7 =	sld [smem:$0x3FB3]  }
0x2d: {  	s3 =	simm.s32 $0x108;
	s8 =	sld [smem:$0x3FB4]  }
0x2e: {  	s3 =	simm.s32 @!p0 $0x1082;
	s9 =	sld [smem:$0x3FB5]  }
0x2f: {  	lr =	sadd.s32 s0, s3;
	s0 =	sld [smem:$0x3FAC]  }
0x30: {  	s3 =	sld [smem:$0x3FAF]  }
0x31: {  	[smem:$0x3FB8] =	sst s10  }
0x32: {  	s10 =	sld [smem:$0x3FB6];
	_ =	sdelay $0x3  }
0x33: {  	p0 =	seq.s32 s10, $0x1;
	s10 =	sld [smem:$0x3FB8];
	_ =	sdelay $0x3  }
0x34: {  	[smem:$0x3FB8] =	sst s10  }
0x35: {  	s10 =	sld [smem:$0x3FB7];
	_ =	sdelay $0x3  }
0x36: {  	p1 =	seq.s32 s10, $0x1;
	s10 =	sld [smem:$0x3FB8];
	_ =	sdelay $0x3  }
0x37: {  	[smem:$0x3FB8] =	sst s10  }
0x38: {  	s10 =	sld [smem:$0x3FB9]  }
0x39: {  	_ = 	snop;
	(pc) =	sbr.ind lr, $3  }
0x3a: {  	_ = 	snop  }
0x3b: {  	_ = 	snop  }
0x3c: {  	p2 =	seq.s32 s10, $0x1;
	s10 =	sld [smem:$0x3FB8]  }
0x3d: {  	_ =	shalt  }
0x3e: {  	_ =	shalt  }
0x3f: {  	_ =	shalt  }
0x40: {  	_ =	shalt  }
0x41: {  	_ =	shalt  }
0x42: {  	_ =	shalt  }
0x43: {  	_ =	shalt  }
0x44: {  	_ =	shalt  }
0x45: {  	_ =	shalt  }
0x46: {  	_ =	shalt  }
0x47: {  	_ =	shalt  }
0x48: {  	_ =	shalt  }
0x49: {  	_ =	shalt  }
0x4a: {  	_ =	shalt  }
0x4b: {  	_ =	shalt  }
0x4c: {  	_ =	shalt  }
0x4d: {  	_ =	shalt  }
0x4e: {  	_ =	shalt  }
0x4f: {  	_ =	shalt  }
0x50: {  	_ =	shalt  }
0x51: {  	_ =	shalt  }
0x52: {  	_ =	shalt  }
0x53: {  	_ =	shalt  }
0x54: {  	_ =	shalt  }
0x55: {  	_ =	shalt  }
0x56: {  	_ =	shalt  }
0x57: {  	_ =	shalt  }
0x58: {  	_ =	shalt  }
0x59: {  	_ =	shalt  }
0x5a: {  	_ =	shalt  }
0x5b: {  	_ =	shalt  }
0x5c: {  	_ =	shalt  }
0x5d: {  	_ =	shalt  }
0x5e: {  	_ =	shalt  }
0x5f: {  	_ =	shalt  }
0x60: {  	_ =	shalt  }
0x61: {  	_ =	shalt  }
0x62: {  	_ =	shalt  }
0x63: {  	_ =	shalt  }
0x64: {  	_ =	shalt  }
0x65: {  	_ =	shalt  }
0x66: {  	_ =	shalt  }
0x67: {  	_ =	shalt  }
0x68: {  	_ =	shalt  }
0x69: {  	_ =	shalt  }
0x6a: {  	_ =	shalt  }
0x6b: {  	_ =	shalt  }
0x6c: {  	_ =	shalt  }
0x6d: {  	_ =	shalt  }
0x6e: {  	_ =	shalt  }
0x6f: {  	_ =	shalt  }
0x70: {  	_ =	shalt  }
0x71: {  	_ =	shalt  }
0x72: {  	_ =	shalt  }
0x73: {  	_ =	shalt  }
0x74: {  	_ =	shalt  }
0x75: {  	_ =	shalt  }
0x76: {  	_ =	shalt  }
0x77: {  	_ =	shalt  }
0x78: {  	_ =	shalt  }
0x79: {  	_ =	shalt  }
0x7a: {  	_ =	shalt  }
0x7b: {  	_ =	shalt  }
0x7c: {  	_ =	shalt  }
0x7d: {  	_ =	shalt  }
0x7e: {  	_ =	shalt  }
0x7f: {  	_ =	shalt  }
0x80: {  	_ =	shalt  }
0x81: {  	_ =	shalt  }
0x82: {  	_ =	shalt  }
0x83: {  	_ =	shalt  }
0x84: {  	_ =	shalt  }
0x85: {  	_ =	shalt  }
0x86: {  	_ =	shalt  }
0x87: {  	_ =	shalt  }
.Lfunc_end0:
.L_simem_size_0:
called_computation_lowered:
.L_overlay_start_0:
0x88: {  	s2 =	sld [smem:$0x3FD9]  }
0x89: {  	s3 =	sld [smem:$0x3FFE];
	_ =	sdelay $0x1  }
0x8a: {  	s1 =	srdreg.scid  }
0x8b: {  	s0 =	sand.u32 $0x1, s1  }
0x8c: {  	s17 =	sshll.u32 s0, $0xA;
	s2 =	sadd.s32 s3, s2  }
0x8d: {  	s2 =	sadd.s32 s2, s17  }
0x8e: {  	[smem:$0x3FC4] =	sst s2  }
0x8f: {  	_ = 	snop  }
0x90: {  	s2 =	sld [smem:$0x3FD0];
	(tm) =	ssettm $0x1  }
0x91: {  	s18 =	sld [smem:$0x3FFB];
	_ =	sdelay $0x3  }
0x92: {  	_ =	strace s18  }
0x93: {  	s3 =	sld [smem:$0x3FFC];
	_ =	sdelay $0x3  }
0x94: {  	_ =	strace s3  }
0x95: {  	s3 =	sld [smem:$0x3FFD];
	_ =	sdelay $0x3  }
0x96: {  	_ =	strace s3  }
0x97: {  	_ =	strace $0x8FFFFFFF  }
0x98: {  	s19 =	sld [smem:$0x3FDB];
	_ =	sdelay $0x1  }
0x99: {  	s4 =	simm.s32 $_scs_section_size  }
0x9a: {  	s5 =	simm.s32 $_size__tile_overlayer_lowered;
	s6 =	simm.s32 $_tile_overlayer_lowered  }
0x9b: {  	s22 =	simm.s32 $0x1BFF;
	s21 =	sshll.u32 s6, $0x1;
	s3 =	sadd.s32 s4, s19  }
0x9c: {  	s7 =	simm.s32 $0x0;
	s20 =	sshll.u32 s5, $0x1;
	s5 =	sadd.s32 s21, s3  }
0x9d: {  	[timem:s7], [sflag:s22] =	dma.local [hbm:s5], s20  }
0x9e: {  	_ =	swait.ge [sflag:s22], s20  }
0x9f: {  	s4 =	ssub.s32 $0x0, s20;
	[sflag:s22] =	ssyncset.done $0x0  }
0xa0: {  	[sflag:s22] =	ssyncadd.s32 s4;
	_ =	sdelay $0x1  }
0xa1: {  	s23 =	simm.s32 $0x1B8B  }
0xa2: {  	_ =	swait.ge [sflag:s23], $0x1  }
0xa3: {  	[sflag:s23] =	ssyncset.done $0x0  }
0xa4: {  	s25 =	simm.s32 $0x1B8E;
	s24 =	sld [smem:$0x3FFE];
	[sflag:s23] =	ssyncadd.s32 $0xFFFFFFFF  }
0xa5: {  	s26 =	simm.s32 $execute0_lowered;
	[smem:$0x3FD2] =	sst s25  }
0xa6: {  	s5 =	sshll.u32 s26, $0x1;
	_ =	strace $0x80000046;
	[dreg:$0x1] =	wrdreg $0xFFFFFFFF  }
0xa7: {  	s28 =	simm.s32 $_size_execute0_lowered;
	s3 =	sadd.s32 s3, s5;
	[dreg:$0x0] =	wrdreg $0x0  }
0xa8: {  	s5 =	sshll.u32 s28, $0x1;
	[dreg:$0x2] =	wrdreg s3  }
0xa9: {  	[dreg:$0x3] =	wrdreg s5  }
0xaa: {  	[dreg:$0x4] =	wrdreg $0xC0  }
0xab: {  	_ =	task [dreg:s7], $0x5FFFF  }
0xac: {  	[dreg:$0x1] =	wrdreg $0xFFFFFFFF  }
0xad: {  	[dreg:$0x0] =	wrdreg $0x60  }
0xae: {  	[dreg:$0x2] =	wrdreg s24  }
0xaf: {  	[dreg:$0x3] =	wrdreg s2  }
0xb0: {  	[dreg:$0x4] =	wrdreg $0x9  }
0xb1: {  	_ =	task.clear_ibuf [dreg:s7], $0x5FFFF;
	_ =	strace $0x90000046  }
0xb2: {  	s29 =	simm.s32 $0x9;
	_ =	strace $0x80000048  }
0xb3: {  	_ =	swait.ge [sflag:s29], $0x1  }
0xb4: {  	[sflag:s29] =	ssyncadd.s32 $0xFFFFFFFF  }
0xb5: {  	_ =	strace $0x90000048  }
0xb6: {  	_ =	sfence  }
0xb7: {  	s30 =	sld [smem:$0x0];
	_ =	sdelay $0x2  }
0xb8: {  	s31 =	sshll.u32 s1, $0xD;
	s1 =	sshrl.u32 s1, $0x2  }
0xb9: {  	s3 =	sand.u32 $0x4000, s31;
	s1 =	sadd.s32 s1, s30  }
0xba: {  	s0 =	sor.u32 s3, s0;
	s1 =	sshll.u32 s1, $0x11  }
0xbb: {  	s0 =	sor.u32 s1, s0  }
0xbc: {  	s0 =	sadd.s32 $0x8F2B, s0  }
0xbd: {  	[sflag:s0] =	ssyncadd.remote.s32 $0x1  }
0xbe: {  	_ =	sfence.sel $0xFFFF  }
0xbf: {  	[dreg:$0x0] =	wrdreg $0xFFFFFFFF;
	(pc) =	sbr.abs _section_cstart, $3  }
0xc0: {  	[dreg:$0x1] =	wrdreg $0xFFFFFFFF  }
0xc1: {  	_ =	task.clear_ibuf [dreg:s7], $0x2FFFF;
	_ =	strace $0x9FFFFFFF  }
0xc2: {  	(tm) =	ssettm $0x7FFFFFFF  }
0xc3: {  	_ =	shalt  }
tec
execute0_lowered:
.L_overlay_start_1:
0x0: {  	(tag) =	ssettag $0x1  }
0x1: {  	s0 =	srdreg.scid;
	s1 =	rddreg [dreg:$0x0]  }
0x2: {  	s10 =	stileid.u32;
	s11 =	rddreg [dreg:$0x1];
	s2 =	simm.s32 $0x0  }
0x3: {  	s14 =	simm.s32 $0x9;
	s24 =	simm.s32 $0x4800;
	s22 =	simm.s32 $0x2  }
0x4: {  	s23 =	simm.s32 $0x3;
	s28 =	simm.s32 $0x5;
	s29 =	simm.s32 $0x6  }
0x5: {  	s30 =	simm.s32 $0x7;
	s31 =	simm.s32 $0x8;
	s0 =	sand.u32 $0x1, s0  }
0x6: {  	s3 =	sshll.u32 s10, $0xB;
	[smem:$0x7FF] =	sst s2;
	s26 =	sshll.u32 s10, $0x12  }
0x7: {  	s4 =	sshll.u32 s0, $0xA;
	_ =	strace $0x80000047;
	s5 =	ssub.s32 $0x2, s0  }
0x8: {  	s0 =	sshll.u32 s0, $0x11;
	s6 =	sor.u32 s4, s3;
	s8 =	sshrl.u32 s5, $0x1  }
0x9: {  	s4 =	sadd.s32 $0x4B200, s1;
	s3 =	sshrl.u32 s6, $0x3;
	s12 =	ssub.s32 s5, s8  }
0xa: {  	s25 =	sshll.u32 s6, $0x7;
	s8 =	sadd.s32 $0x4B300, s1;
	s7 =	sadd.s32 s3, s1  }
0xb: {  	s3 =	sadd.s32 $0xB200, s1;
	s13 =	sadd.s32 s25, s11;
	s12 =	smax.u32 s12, $0x1  }
0xc: {  	s25 =	simm.s32 $0x4;
	s5 =	sadd.s32 $0xA200, s7;
	s6 =	sadd.s32 $0x9200, s7  }
0xd: {  	v2 =	vlaneseq.u32;
	s7 =	sadd.s32 $0xB300, s1;
	s9 =	sadd.s32 $0x41E800, s13;
	s1 =	sadd.s32 s26, s11  }
0xe: {  	vm0 =	vmmov $0xffff;
	v1 =	vshrl.u32 v2, $0x3;
	s10 =	sadd.s32 $0x41F000, s13;
	s11 =	sadd.s32 $0x41F800, s13;
	s0 =	sadd.s32 s0, s1  }
0xf: {  	v0 =	vand.u32 $0x7, v2;
	v2 =	vor.u32 $0x8, v2;
	v1 =	vmul.u32 $0x8, v1;
	s1 =	simm.s32 $0x0;
	s17 =	sadd.s32 $0x400000, s0;
	s0 =	simm.s32 $0x8800  }
.LBB2_1:
0x10: {  	[tilespmem:s2], [sflag:$0x9] =	stream.linear.gather [hbm4b:s5+s2], $0x400, $0x38;
	[tilespmem:$0x10800] =	vst v63  }
0x11: {  	_ =	swait.ge [sflag:s14], $0x400  }
0x12: {  	[sflag:s14] =	ssyncset.done $0x0  }
0x13: {  	s13 =	simm.s32 $0x400;
	[sflag:s14] =	ssyncadd.s32 $0xFFFFFC00  }
0x14: {  	[tilespmem:s13], [sflag:$0x9] =	stream.linear.gather [hbm4b:s6+s2], $0x400, $0x38;
	[tilespmem:$0x10800] =	vst v63  }
0x15: {  	_ =	swait.ge [sflag:s14], $0x400  }
0x16: {  	[sflag:s14] =	ssyncset.done $0x0  }
0x17: {  	[sflag:s14] =	ssyncadd.s32 $0xFFFFFC00  }
0x18: {  	v3 =	vld [tilespmem:$0x0];
	_ =	sdelay $0x4  }
0x19: {  	v4 =	vshll.u32 v3, $0x2  }
0x1a: {  	v3 =	vand.u32 $0x7, v3;
	v4 =	vand.u32 $0xFFFFFFE0, v4  }
0x1b: {  	v3 =	vor.u32 v3, v4  }
0x1c: {  	v4 =	vperm.xlane v3, v0;
	_ =	sdelay $0x1  }
0x1d: {  	v4 =	vadd.s32 v1, v4;
	_ =	sdelay $0x1  }
0x1e: {  	v3 =	vperm.xlane v3, v2;
	_ =	sdelay $0x1  }
0x1f: {  	s26 =	simm.s32 $0x800;
	v3 =	vadd.s32 v1, v3  }
0x20: {  	[tilespmem:s26], [sflag:$0x1] =	stream.indirect_vreg.gather [hbm4b:s3+s2], $0x80, v4, vm0, $0xb8;
	[tilespmem:$0x10800] =	vst v63  }
0x21: {  	s15 =	simm.s32 $0x1000  }
0x22: {  	[tilespmem:s15], [sflag:$0x1] =	stream.indirect_vreg.gather [hbm4b:s7+s2], $0x80, v4, vm0, $0xb8;
	[tilespmem:$0x10800] =	vst v63  }
0x23: {  	s16 =	simm.s32 $0x2800  }
0x24: {  	[tilespmem:s16], [sflag:$0x1] =	stream.indirect_vreg.gather [hbm4b:s3+s2], $0x80, v3, vm0, $0xb8;
	[tilespmem:$0x10800] =	vst v63  }
0x25: {  	s18 =	simm.s32 $0x3000  }
0x26: {  	[tilespmem:s18], [sflag:$0x1] =	stream.indirect_vreg.gather [hbm4b:s7+s2], $0x80, v3, vm0, $0xb8;
	[tilespmem:$0x10800] =	vst v63  }
0x27: {  	v3 =	vld [tilespmem:$0x400];
	_ =	sdelay $0x4  }
0x28: {  	v59 =	vshll.u32 v3, $0x2  }
0x29: {  	v3 =	vand.u32 $0x7, v3;
	v4 =	vand.u32 $0xFFFFFFE0, v59  }
0x2a: {  	v3 =	vor.u32 v3, v4  }
0x2b: {  	v4 =	vperm.xlane v3, v0;
	_ =	sdelay $0x1  }
0x2c: {  	v4 =	vadd.s32 v1, v4;
	_ =	sdelay $0x1  }
0x2d: {  	v3 =	vperm.xlane v3, v2;
	_ =	sdelay $0x1  }
0x2e: {  	s19 =	simm.s32 $0x1800;
	v3 =	vadd.s32 v1, v3  }
0x2f: {  	[tilespmem:s19], [sflag:$0x1] =	stream.indirect_vreg.gather [hbm4b:s4+s2], $0x80, v4, vm0, $0xb8;
	[tilespmem:$0x10800] =	vst v63  }
0x30: {  	s20 =	simm.s32 $0x2000  }
0x31: {  	[tilespmem:s20], [sflag:$0x1] =	stream.indirect_vreg.gather [hbm4b:s8+s2], $0x80, v4, vm0, $0xb8;
	[tilespmem:$0x10800] =	vst v63  }
0x32: {  	s21 =	simm.s32 $0x3800  }
0x33: {  	[tilespmem:s21], [sflag:$0x1] =	stream.indirect_vreg.gather [hbm4b:s4+s2], $0x80, v3, vm0, $0xb8;
	[tilespmem:$0x10800] =	vst v63  }
0x34: {  	s26 =	simm.s32 $0x4000  }
0x35: {  	[tilespmem:s26], [sflag:$0x1] =	stream.indirect_vreg.gather [hbm4b:s8+s2], $0x80, v3, vm0, $0xb8;
	[tilespmem:$0x10800] =	vst v63  }
0x36: {  	v3 =	vld [tilespmem:$0x10];
	_ =	sdelay $0x4  }
0x37: {  	v60 =	vshll.u32 v3, $0x2  }
0x38: {  	v3 =	vand.u32 $0x7, v3;
	v4 =	vand.u32 $0xFFFFFFE0, v60  }
0x39: {  	v3 =	vor.u32 v3, v4  }
0x3a: {  	v4 =	vperm.xlane v3, v0;
	_ =	sdelay $0x1  }
0x3b: {  	v4 =	vadd.s32 v1, v4;
	_ =	sdelay $0x1  }
0x3c: {  	v3 =	vperm.xlane v3, v2;
	_ =	sdelay $0x1  }
0x3d: {  	v3 =	vadd.s32 v1, v3  }
0x3e: {  	[tilespmem:s24], [sflag:$0x2] =	stream.indirect_vreg.gather [hbm4b:s3+s2], $0x80, v4, vm0, $0xb8;
	[tilespmem:$0x10800] =	vst v63  }
0x3f: {  	s15 =	simm.s32 $0x5000  }
0x40: {  	[tilespmem:s15], [sflag:$0x2] =	stream.indirect_vreg.gather [hbm4b:s7+s2], $0x80, v4, vm0, $0xb8;
	[tilespmem:$0x10800] =	vst v63  }
0x41: {  	s16 =	simm.s32 $0x6800  }
0x42: {  	[tilespmem:s16], [sflag:$0x2] =	stream.indirect_vreg.gather [hbm4b:s3+s2], $0x80, v3, vm0, $0xb8;
	[tilespmem:$0x10800] =	vst v63  }
0x43: {  	s18 =	simm.s32 $0x7000  }
0x44: {  	[tilespmem:s18], [sflag:$0x2] =	stream.indirect_vreg.gather [hbm4b:s7+s2], $0x80, v3, vm0, $0xb8;
	[tilespmem:$0x10800] =	vst v63  }
0x45: {  	v3 =	vld [tilespmem:$0x410];
	_ =	sdelay $0x4  }
0x46: {  	v61 =	vshll.u32 v3, $0x2  }
0x47: {  	v3 =	vand.u32 $0x7, v3;
	v4 =	vand.u32 $0xFFFFFFE0, v61  }
0x48: {  	v3 =	vor.u32 v3, v4  }
0x49: {  	v4 =	vperm.xlane v3, v0;
	_ =	sdelay $0x1  }
0x4a: {  	v4 =	vadd.s32 v1, v4;
	_ =	sdelay $0x1  }
0x4b: {  	v3 =	vperm.xlane v3, v2;
	_ =	sdelay $0x1  }
0x4c: {  	s19 =	simm.s32 $0x5800;
	v3 =	vadd.s32 v1, v3  }
0x4d: {  	[tilespmem:s19], [sflag:$0x2] =	stream.indirect_vreg.gather [hbm4b:s4+s2], $0x80, v4, vm0, $0xb8;
	[tilespmem:$0x10800] =	vst v63  }
0x4e: {  	s20 =	simm.s32 $0x6000  }
0x4f: {  	[tilespmem:s20], [sflag:$0x2] =	stream.indirect_vreg.gather [hbm4b:s8+s2], $0x80, v4, vm0, $0xb8;
	[tilespmem:$0x10800] =	vst v63  }
0x50: {  	s21 =	simm.s32 $0x7800  }
0x51: {  	[tilespmem:s21], [sflag:$0x2] =	stream.indirect_vreg.gather [hbm4b:s4+s2], $0x80, v3, vm0, $0xb8;
	[tilespmem:$0x10800] =	vst v63  }
0x52: {  	s26 =	simm.s32 $0x8000  }
0x53: {  	[tilespmem:s26], [sflag:$0x2] =	stream.indirect_vreg.gather [hbm4b:s8+s2], $0x80, v3, vm0, $0xb8;
	[tilespmem:$0x10800] =	vst v63  }
0x54: {  	v3 =	vld [tilespmem:$0x20];
	_ =	sdelay $0x4  }
0x55: {  	v62 =	vshll.u32 v3, $0x2  }
0x56: {  	v3 =	vand.u32 $0x7, v3;
	v4 =	vand.u32 $0xFFFFFFE0, v62  }
0x57: {  	v3 =	vor.u32 v3, v4  }
0x58: {  	v4 =	vperm.xlane v3, v0;
	_ =	sdelay $0x1  }
0x59: {  	v4 =	vadd.s32 v1, v4;
	_ =	sdelay $0x1  }
0x5a: {  	v3 =	vperm.xlane v3, v2;
	_ =	sdelay $0x1  }
0x5b: {  	v3 =	vadd.s32 v1, v3  }
0x5c: {  	[tilespmem:s0], [sflag:$0x3] =	stream.indirect_vreg.gather [hbm4b:s3+s2], $0x80, v4, vm0, $0xb8;
	[tilespmem:$0x10800] =	vst v63  }
0x5d: {  	s15 =	simm.s32 $0x9000  }
0x5e: {  	[tilespmem:s15], [sflag:$0x3] =	stream.indirect_vreg.gather [hbm4b:s7+s2], $0x80, v4, vm0, $0xb8;
	[tilespmem:$0x10800] =	vst v63  }
0x5f: {  	s16 =	simm.s32 $0xA800  }
0x60: {  	[tilespmem:s16], [sflag:$0x3] =	stream.indirect_vreg.gather [hbm4b:s3+s2], $0x80, v3, vm0, $0xb8;
	[tilespmem:$0x10800] =	vst v63  }
0x61: {  	s18 =	simm.s32 $0xB000  }
0x62: {  	[tilespmem:s18], [sflag:$0x3] =	stream.indirect_vreg.gather [hbm4b:s7+s2], $0x80, v3, vm0, $0xb8;
	[tilespmem:$0x10800] =	vst v63  }
0x63: {  	v3 =	vld [tilespmem:$0x420];
	_ =	sdelay $0x4  }
0x64: {  	v63 =	vshll.u32 v3, $0x2  }
0x65: {  	v3 =	vand.u32 $0x7, v3;
	v4 =	vand.u32 $0xFFFFFFE0, v63  }
0x66: {  	v3 =	vor.u32 v3, v4  }
0x67: {  	v4 =	vperm.xlane v3, v0;
	_ =	sdelay $0x1  }
0x68: {  	v4 =	vadd.s32 v1, v4;
	_ =	sdelay $0x1  }
0x69: {  	v3 =	vperm.xlane v3, v2;
	_ =	sdelay $0x1  }
0x6a: {  	s19 =	simm.s32 $0x9800;
	v3 =	vadd.s32 v1, v3  }
0x6b: {  	[tilespmem:s19], [sflag:$0x3] =	stream.indirect_vreg.gather [hbm4b:s4+s2], $0x80, v4, vm0, $0xb8;
	[tilespmem:$0x10800] =	vst v63  }
0x6c: {  	s20 =	simm.s32 $0xA000  }
0x6d: {  	[tilespmem:s20], [sflag:$0x3] =	stream.indirect_vreg.gather [hbm4b:s8+s2], $0x80, v4, vm0, $0xb8;
	[tilespmem:$0x10800] =	vst v63  }
0x6e: {  	s13 =	smov.u32 s17;
	s21 =	simm.s32 $0xB800;
	s26 =	simm.s32 $0xC000  }
0x6f: {  	[tilespmem:s21], [sflag:$0x3] =	stream.indirect_vreg.gather [hbm4b:s4+s2], $0x80, v3, vm0, $0xb8;
	[tilespmem:$0x10800] =	vst v63  }
0x70: {  	s15 =	simm.s32 $0x30;
	s16 =	simm.s32 $0x430;
	s18 =	simm.s32 $0x0  }
0x71: {  	[tilespmem:s26], [sflag:$0x3] =	stream.indirect_vreg.gather [hbm4b:s8+s2], $0x80, v3, vm0, $0xb8;
	[tilespmem:$0x10800] =	vst v63  }
.LBB2_2:
0x72: {  	s19 =	sadd.s32 $0xFFFFFFFF, s18  }
0x73: {  	s19 =	sand.u32 $0x3, s19  }
0x74: {  	p0 =	sne.s32 s19, $0x0  }
0x75: {  	p1 =	seq.s32 @!p0 s18, $0x0  }
0x76: {  	p1 =	por p1, p0  }
0x77: {  	s20 =	simm.s32 @!p1 $0x5  }
0x78: {  	_ =	swait.ge @!p1 [sflag:s20], $0x4000  }
0x79: {  	[sflag:s20] =	ssyncset.done @!p1 $0x0  }
0x7a: {  	[sflag:s20] =	ssyncadd.s32 @!p1 $0xFFFFC000  }
0x7b: {  	v3 =	vld @!p0 [tilespmem:s15+$0x0];
	_ =	sdelay $0x4  }
0x7c: {  	v4 =	vshll.u32 @!p0 v3, $0x2  }
0x7d: {  	v5 =	vlaneseq.u32 @!p0;
	v3 =	vand.u32 @!p0 $0x7, v3;
	v4 =	vand.u32 @!p0 $0xFFFFFFE0, v4  }
0x7e: {  	v6 =	vshrl.u32 @!p0 v5, $0x3;
	v3 =	vor.u32 @!p0 v3, v4;
	v4 =	vand.u32 @!p0 $0x7, v5  }
0x7f: {  	v6 =	vmul.u32 @!p0 $0x8, v6;
	v7 =	vperm.xlane @!p0 v3, v4;
	_ =	sdelay $0x1  }
0x80: {  	v7 =	vadd.s32 @!p0 v6, v7  }
0x81: {  	v5 =	vor.u32 @!p0 $0x8, v5  }
0x82: {  	v3 =	vperm.xlane @!p0 v3, v5;
	_ =	sdelay $0x1  }
0x83: {  	vm1 =	vmmov @!p0 $0xffff;
	s21 =	simm.s32 @!p0 $0x800;
	s20 =	simm.s32 @!p0 $0x0;
	v3 =	vadd.s32 @!p0 v6, v3  }
0x84: {  	[tilespmem:s21], [sflag:$0x1] =	stream.indirect_vreg.gather @!p0 [hbm4b:s3+s20], $0x80, v7, vm1, $0xb8;
	[tilespmem:$0x10800] =	vst v63  }
0x85: {  	s21 =	simm.s32 @!p0 $0x1000  }
0x86: {  	[tilespmem:s21], [sflag:$0x1] =	stream.indirect_vreg.gather @!p0 [hbm4b:s7+s20], $0x80, v7, vm1, $0xb8;
	[tilespmem:$0x10800] =	vst v63  }
0x87: {  	s21 =	simm.s32 @!p0 $0x2800  }
0x88: {  	[tilespmem:s21], [sflag:$0x1] =	stream.indirect_vreg.gather @!p0 [hbm4b:s3+s20], $0x80, v3, vm1, $0xb8;
	[tilespmem:$0x10800] =	vst v63  }
0x89: {  	s21 =	simm.s32 @!p0 $0x3000  }
0x8a: {  	[tilespmem:s21], [sflag:$0x1] =	stream.indirect_vreg.gather @!p0 [hbm4b:s7+s20], $0x80, v3, vm1, $0xb8;
	[tilespmem:$0x10800] =	vst v63  }
0x8b: {  	v3 =	vld @!p0 [tilespmem:s16+$0x0];
	_ =	sdelay $0x4  }
0x8c: {  	v7 =	vshll.u32 @!p0 v3, $0x2  }
0x8d: {  	v3 =	vand.u32 @!p0 $0x7, v3;
	v7 =	vand.u32 @!p0 $0xFFFFFFE0, v7  }
0x8e: {  	v3 =	vor.u32 @!p0 v3, v7  }
0x8f: {  	v4 =	vperm.xlane @!p0 v3, v4;
	_ =	sdelay $0x1  }
0x90: {  	v4 =	vadd.s32 @!p0 v6, v4;
	_ =	sdelay $0x1  }
0x91: {  	v3 =	vperm.xlane @!p0 v3, v5;
	_ =	sdelay $0x1  }
0x92: {  	s21 =	simm.s32 @!p0 $0x1800;
	v3 =	vadd.s32 @!p0 v6, v3  }
0x93: {  	[tilespmem:s21], [sflag:$0x1] =	stream.indirect_vreg.gather @!p0 [hbm4b:s4+s20], $0x80, v4, vm1, $0xb8;
	[tilespmem:$0x10800] =	vst v63  }
0x94: {  	s21 =	simm.s32 @!p0 $0x2000  }
0x95: {  	[tilespmem:s21], [sflag:$0x1] =	stream.indirect_vreg.gather @!p0 [hbm4b:s8+s20], $0x80, v4, vm1, $0xb8;
	[tilespmem:$0x10800] =	vst v63  }
0x96: {  	s21 =	simm.s32 @!p0 $0x3800  }
0x97: {  	[tilespmem:s21], [sflag:$0x1] =	stream.indirect_vreg.gather @!p0 [hbm4b:s4+s20], $0x80, v3, vm1, $0xb8;
	[tilespmem:$0x10800] =	vst v63  }
0x98: {  	s21 =	simm.s32 @!p0 $0x4000  }
0x99: {  	[tilespmem:s21], [sflag:$0x1] =	stream.indirect_vreg.gather @!p0 [hbm4b:s8+s20], $0x80, v3, vm1, $0xb8;
	[tilespmem:$0x10800] =	vst v63  }
0x9a: {  	s20 =	sand.u32 $0x3, s18  }
0x9b: {  	p0 =	sne.s32 s20, $0x0  }
0x9c: {  	s21 =	simm.s32 @!p0 $0x1  }
0x9d: {  	_ =	swait.ge @!p0 [sflag:s21], $0x4000  }
0x9e: {  	[sflag:s21] =	ssyncset.done @!p0 $0x0  }
0x9f: {  	s26 =	simm.s32 @!p0 $0x800;
	[sflag:s21] =	ssyncadd.s32 @!p0 $0xFFFFC000;
	s21 =	simm.s32 @!p0 $0x0  }
0xa0: {  	[hbm4b:s13+s21] =	stream.linear.scatter @!p0 [tilespmem:s26], [sflag:$0x5], $0x4000, $0x38;
	[tilespmem:$0x10800] =	vst v63  }
0xa1: {  	p0 =	sne.s32 s19, $0x1  }
0xa2: {  	p1 =	seq.s32 @!p0 s18, $0x0  }
0xa3: {  	p1 =	por p1, p0  }
0xa4: {  	s21 =	simm.s32 @!p1 $0x6  }
0xa5: {  	_ =	swait.ge @!p1 [sflag:s21], $0x4000  }
0xa6: {  	[sflag:s21] =	ssyncset.done @!p1 $0x0  }
0xa7: {  	[sflag:s21] =	ssyncadd.s32 @!p1 $0xFFFFC000  }
0xa8: {  	v3 =	vld @!p0 [tilespmem:s15+$0x0];
	_ =	sdelay $0x4  }
0xa9: {  	v4 =	vshll.u32 @!p0 v3, $0x2  }
0xaa: {  	v5 =	vlaneseq.u32 @!p0;
	v3 =	vand.u32 @!p0 $0x7, v3;
	v4 =	vand.u32 @!p0 $0xFFFFFFE0, v4  }
0xab: {  	v6 =	vshrl.u32 @!p0 v5, $0x3;
	v3 =	vor.u32 @!p0 v3, v4;
	v4 =	vand.u32 @!p0 $0x7, v5  }
0xac: {  	v6 =	vmul.u32 @!p0 $0x8, v6;
	v7 =	vperm.xlane @!p0 v3, v4;
	_ =	sdelay $0x1  }
0xad: {  	v7 =	vadd.s32 @!p0 v6, v7  }
0xae: {  	v5 =	vor.u32 @!p0 $0x8, v5  }
0xaf: {  	v3 =	vperm.xlane @!p0 v3, v5;
	_ =	sdelay $0x1  }
0xb0: {  	vm1 =	vmmov @!p0 $0xffff;
	s26 =	simm.s32 @!p0 $0x4800;
	s21 =	simm.s32 @!p0 $0x0;
	v3 =	vadd.s32 @!p0 v6, v3  }
0xb1: {  	[tilespmem:s26], [sflag:$0x2] =	stream.indirect_vreg.gather @!p0 [hbm4b:s3+s21], $0x80, v7, vm1, $0xb8;
	[tilespmem:$0x10800] =	vst v63  }
0xb2: {  	s26 =	simm.s32 @!p0 $0x5000  }
0xb3: {  	[tilespmem:s26], [sflag:$0x2] =	stream.indirect_vreg.gather @!p0 [hbm4b:s7+s21], $0x80, v7, vm1, $0xb8;
	[tilespmem:$0x10800] =	vst v63  }
0xb4: {  	s26 =	simm.s32 @!p0 $0x6800  }
0xb5: {  	[tilespmem:s26], [sflag:$0x2] =	stream.indirect_vreg.gather @!p0 [hbm4b:s3+s21], $0x80, v3, vm1, $0xb8;
	[tilespmem:$0x10800] =	vst v63  }
0xb6: {  	s26 =	simm.s32 @!p0 $0x7000  }
0xb7: {  	[tilespmem:s26], [sflag:$0x2] =	stream.indirect_vreg.gather @!p0 [hbm4b:s7+s21], $0x80, v3, vm1, $0xb8;
	[tilespmem:$0x10800] =	vst v63  }
0xb8: {  	v3 =	vld @!p0 [tilespmem:s16+$0x0];
	_ =	sdelay $0x4  }
0xb9: {  	v7 =	vshll.u32 @!p0 v3, $0x2  }
0xba: {  	v3 =	vand.u32 @!p0 $0x7, v3;
	v7 =	vand.u32 @!p0 $0xFFFFFFE0, v7  }
0xbb: {  	v3 =	vor.u32 @!p0 v3, v7  }
0xbc: {  	v4 =	vperm.xlane @!p0 v3, v4;
	_ =	sdelay $0x1  }
0xbd: {  	v4 =	vadd.s32 @!p0 v6, v4;
	_ =	sdelay $0x1  }
0xbe: {  	v3 =	vperm.xlane @!p0 v3, v5;
	_ =	sdelay $0x1  }
0xbf: {  	s26 =	simm.s32 @!p0 $0x5800;
	v3 =	vadd.s32 @!p0 v6, v3  }
0xc0: {  	[tilespmem:s26], [sflag:$0x2] =	stream.indirect_vreg.gather @!p0 [hbm4b:s4+s21], $0x80, v4, vm1, $0xb8;
	[tilespmem:$0x10800] =	vst v63  }
0xc1: {  	s26 =	simm.s32 @!p0 $0x6000  }
0xc2: {  	[tilespmem:s26], [sflag:$0x2] =	stream.indirect_vreg.gather @!p0 [hbm4b:s8+s21], $0x80, v4, vm1, $0xb8;
	[tilespmem:$0x10800] =	vst v63  }
0xc3: {  	s26 =	simm.s32 @!p0 $0x7800  }
0xc4: {  	[tilespmem:s26], [sflag:$0x2] =	stream.indirect_vreg.gather @!p0 [hbm4b:s4+s21], $0x80, v3, vm1, $0xb8;
	[tilespmem:$0x10800] =	vst v63  }
0xc5: {  	s26 =	simm.s32 @!p0 $0x8000  }
0xc6: {  	[tilespmem:s26], [sflag:$0x2] =	stream.indirect_vreg.gather @!p0 [hbm4b:s8+s21], $0x80, v3, vm1, $0xb8;
	[tilespmem:$0x10800] =	vst v63  }
0xc7: {  	p0 =	sne.s32 s20, $0x1  }
0xc8: {  	s21 =	simm.s32 @!p0 $0x2  }
0xc9: {  	_ =	swait.ge @!p0 [sflag:s21], $0x4000  }
0xca: {  	[sflag:s21] =	ssyncset.done @!p0 $0x0  }
0xcb: {  	s26 =	simm.s32 @!p0 $0x4800;
	[sflag:s21] =	ssyncadd.s32 @!p0 $0xFFFFC000;
	s21 =	simm.s32 @!p0 $0x0  }
0xcc: {  	[hbm4b:s13+s21] =	stream.linear.scatter @!p0 [tilespmem:s26], [sflag:$0x6], $0x4000, $0x38;
	[tilespmem:$0x10800] =	vst v63  }
0xcd: {  	p0 =	sne.s32 s19, $0x2  }
0xce: {  	p1 =	seq.s32 @!p0 s18, $0x0  }
0xcf: {  	p1 =	por p1, p0  }
0xd0: {  	s21 =	simm.s32 @!p1 $0x7  }
0xd1: {  	_ =	swait.ge @!p1 [sflag:s21], $0x4000  }
0xd2: {  	[sflag:s21] =	ssyncset.done @!p1 $0x0  }
0xd3: {  	[sflag:s21] =	ssyncadd.s32 @!p1 $0xFFFFC000  }
0xd4: {  	v3 =	vld @!p0 [tilespmem:s15+$0x0];
	_ =	sdelay $0x4  }
0xd5: {  	v4 =	vshll.u32 @!p0 v3, $0x2  }
0xd6: {  	v5 =	vlaneseq.u32 @!p0;
	v3 =	vand.u32 @!p0 $0x7, v3;
	v4 =	vand.u32 @!p0 $0xFFFFFFE0, v4  }
0xd7: {  	v6 =	vshrl.u32 @!p0 v5, $0x3;
	v3 =	vor.u32 @!p0 v3, v4;
	v4 =	vand.u32 @!p0 $0x7, v5  }
0xd8: {  	v6 =	vmul.u32 @!p0 $0x8, v6;
	v7 =	vperm.xlane @!p0 v3, v4;
	_ =	sdelay $0x1  }
0xd9: {  	v7 =	vadd.s32 @!p0 v6, v7  }
0xda: {  	v5 =	vor.u32 @!p0 $0x8, v5  }
0xdb: {  	v3 =	vperm.xlane @!p0 v3, v5;
	_ =	sdelay $0x1  }
0xdc: {  	vm1 =	vmmov @!p0 $0xffff;
	s26 =	simm.s32 @!p0 $0x8800;
	s21 =	simm.s32 @!p0 $0x0;
	v3 =	vadd.s32 @!p0 v6, v3  }
0xdd: {  	[tilespmem:s26], [sflag:$0x3] =	stream.indirect_vreg.gather @!p0 [hbm4b:s3+s21], $0x80, v7, vm1, $0xb8;
	[tilespmem:$0x10800] =	vst v63  }
0xde: {  	s26 =	simm.s32 @!p0 $0x9000  }
0xdf: {  	[tilespmem:s26], [sflag:$0x3] =	stream.indirect_vreg.gather @!p0 [hbm4b:s7+s21], $0x80, v7, vm1, $0xb8;
	[tilespmem:$0x10800] =	vst v63  }
0xe0: {  	s26 =	simm.s32 @!p0 $0xA800  }
0xe1: {  	[tilespmem:s26], [sflag:$0x3] =	stream.indirect_vreg.gather @!p0 [hbm4b:s3+s21], $0x80, v3, vm1, $0xb8;
	[tilespmem:$0x10800] =	vst v63  }
0xe2: {  	s26 =	simm.s32 @!p0 $0xB000  }
0xe3: {  	[tilespmem:s26], [sflag:$0x3] =	stream.indirect_vreg.gather @!p0 [hbm4b:s7+s21], $0x80, v3, vm1, $0xb8;
	[tilespmem:$0x10800] =	vst v63  }
0xe4: {  	v3 =	vld @!p0 [tilespmem:s16+$0x0];
	_ =	sdelay $0x4  }
0xe5: {  	v7 =	vshll.u32 @!p0 v3, $0x2  }
0xe6: {  	v3 =	vand.u32 @!p0 $0x7, v3;
	v7 =	vand.u32 @!p0 $0xFFFFFFE0, v7  }
0xe7: {  	v3 =	vor.u32 @!p0 v3, v7  }
0xe8: {  	v4 =	vperm.xlane @!p0 v3, v4;
	_ =	sdelay $0x1  }
0xe9: {  	v4 =	vadd.s32 @!p0 v6, v4;
	_ =	sdelay $0x1  }
0xea: {  	v3 =	vperm.xlane @!p0 v3, v5;
	_ =	sdelay $0x1  }
0xeb: {  	s26 =	simm.s32 @!p0 $0x9800;
	v3 =	vadd.s32 @!p0 v6, v3  }
0xec: {  	[tilespmem:s26], [sflag:$0x3] =	stream.indirect_vreg.gather @!p0 [hbm4b:s4+s21], $0x80, v4, vm1, $0xb8;
	[tilespmem:$0x10800] =	vst v63  }
0xed: {  	s26 =	simm.s32 @!p0 $0xA000  }
0xee: {  	[tilespmem:s26], [sflag:$0x3] =	stream.indirect_vreg.gather @!p0 [hbm4b:s8+s21], $0x80, v4, vm1, $0xb8;
	[tilespmem:$0x10800] =	vst v63  }
0xef: {  	s26 =	simm.s32 @!p0 $0xB800  }
0xf0: {  	[tilespmem:s26], [sflag:$0x3] =	stream.indirect_vreg.gather @!p0 [hbm4b:s4+s21], $0x80, v3, vm1, $0xb8;
	[tilespmem:$0x10800] =	vst v63  }
0xf1: {  	s26 =	simm.s32 @!p0 $0xC000  }
0xf2: {  	[tilespmem:s26], [sflag:$0x3] =	stream.indirect_vreg.gather @!p0 [hbm4b:s8+s21], $0x80, v3, vm1, $0xb8;
	[tilespmem:$0x10800] =	vst v63  }
0xf3: {  	p0 =	sne.s32 s20, $0x2  }
0xf4: {  	s21 =	simm.s32 @!p0 $0x3  }
0xf5: {  	_ =	swait.ge @!p0 [sflag:s21], $0x4000  }
0xf6: {  	[sflag:s21] =	ssyncset.done @!p0 $0x0  }
0xf7: {  	s26 =	simm.s32 @!p0 $0x8800;
	[sflag:s21] =	ssyncadd.s32 @!p0 $0xFFFFC000;
	s21 =	simm.s32 @!p0 $0x0  }
0xf8: {  	[hbm4b:s13+s21] =	stream.linear.scatter @!p0 [tilespmem:s26], [sflag:$0x7], $0x4000, $0x38;
	[tilespmem:$0x10800] =	vst v63  }
0xf9: {  	p0 =	sne.s32 s19, $0x3  }
0xfa: {  	p1 =	seq.s32 @!p0 s18, $0x0  }
0xfb: {  	p1 =	por p1, p0  }
0xfc: {  	s19 =	simm.s32 @!p1 $0x8  }
0xfd: {  	_ =	swait.ge @!p1 [sflag:s19], $0x4000  }
0xfe: {  	[sflag:s19] =	ssyncset.done @!p1 $0x0  }
0xff: {  	[sflag:s19] =	ssyncadd.s32 @!p1 $0xFFFFC000  }
0x100: {  	v3 =	vld @!p0 [tilespmem:s15+$0x0];
	_ =	sdelay $0x4  }
0x101: {  	v4 =	vshll.u32 @!p0 v3, $0x2  }
0x102: {  	v5 =	vlaneseq.u32 @!p0;
	v3 =	vand.u32 @!p0 $0x7, v3;
	v4 =	vand.u32 @!p0 $0xFFFFFFE0, v4  }
0x103: {  	v6 =	vshrl.u32 @!p0 v5, $0x3;
	v3 =	vor.u32 @!p0 v3, v4;
	v4 =	vand.u32 @!p0 $0x7, v5  }
0x104: {  	v6 =	vmul.u32 @!p0 $0x8, v6;
	v7 =	vperm.xlane @!p0 v3, v4;
	_ =	sdelay $0x1  }
0x105: {  	v7 =	vadd.s32 @!p0 v6, v7  }
0x106: {  	v5 =	vor.u32 @!p0 $0x8, v5  }
0x107: {  	v3 =	vperm.xlane @!p0 v3, v5;
	_ =	sdelay $0x1  }
0x108: {  	vm1 =	vmmov @!p0 $0xffff;
	s21 =	simm.s32 @!p0 $0xC800;
	s19 =	simm.s32 @!p0 $0x0;
	v3 =	vadd.s32 @!p0 v6, v3  }
0x109: {  	[tilespmem:s21], [sflag:$0x4] =	stream.indirect_vreg.gather @!p0 [hbm4b:s3+s19], $0x80, v7, vm1, $0xb8;
	[tilespmem:$0x10800] =	vst v63  }
0x10a: {  	s21 =	simm.s32 @!p0 $0xD000  }
0x10b: {  	[tilespmem:s21], [sflag:$0x4] =	stream.indirect_vreg.gather @!p0 [hbm4b:s7+s19], $0x80, v7, vm1, $0xb8;
	[tilespmem:$0x10800] =	vst v63  }
0x10c: {  	s21 =	simm.s32 @!p0 $0xE800  }
0x10d: {  	[tilespmem:s21], [sflag:$0x4] =	stream.indirect_vreg.gather @!p0 [hbm4b:s3+s19], $0x80, v3, vm1, $0xb8;
	[tilespmem:$0x10800] =	vst v63  }
0x10e: {  	s21 =	simm.s32 @!p0 $0xF000  }
0x10f: {  	[tilespmem:s21], [sflag:$0x4] =	stream.indirect_vreg.gather @!p0 [hbm4b:s7+s19], $0x80, v3, vm1, $0xb8;
	[tilespmem:$0x10800] =	vst v63  }
0x110: {  	v3 =	vld @!p0 [tilespmem:s16+$0x0];
	_ =	sdelay $0x4  }
0x111: {  	v7 =	vshll.u32 @!p0 v3, $0x2  }
0x112: {  	v3 =	vand.u32 @!p0 $0x7, v3;
	v7 =	vand.u32 @!p0 $0xFFFFFFE0, v7  }
0x113: {  	v3 =	vor.u32 @!p0 v3, v7  }
0x114: {  	v4 =	vperm.xlane @!p0 v3, v4;
	_ =	sdelay $0x1  }
0x115: {  	v4 =	vadd.s32 @!p0 v6, v4;
	_ =	sdelay $0x1  }
0x116: {  	v3 =	vperm.xlane @!p0 v3, v5;
	_ =	sdelay $0x1  }
0x117: {  	s21 =	simm.s32 @!p0 $0xD800;
	v3 =	vadd.s32 @!p0 v6, v3  }
0x118: {  	[tilespmem:s21], [sflag:$0x4] =	stream.indirect_vreg.gather @!p0 [hbm4b:s4+s19], $0x80, v4, vm1, $0xb8;
	[tilespmem:$0x10800] =	vst v63  }
0x119: {  	s21 =	simm.s32 @!p0 $0xE000  }
0x11a: {  	[tilespmem:s21], [sflag:$0x4] =	stream.indirect_vreg.gather @!p0 [hbm4b:s8+s19], $0x80, v4, vm1, $0xb8;
	[tilespmem:$0x10800] =	vst v63  }
0x11b: {  	s21 =	simm.s32 @!p0 $0xF800  }
0x11c: {  	[tilespmem:s21], [sflag:$0x4] =	stream.indirect_vreg.gather @!p0 [hbm4b:s4+s19], $0x80, v3, vm1, $0xb8;
	[tilespmem:$0x10800] =	vst v63  }
0x11d: {  	s21 =	simm.s32 @!p0 $0x10000  }
0x11e: {  	[tilespmem:s21], [sflag:$0x4] =	stream.indirect_vreg.gather @!p0 [hbm4b:s8+s19], $0x80, v3, vm1, $0xb8;
	[tilespmem:$0x10800] =	vst v63  }
0x11f: {  	p0 =	sne.s32 s20, $0x3  }
0x120: {  	s19 =	simm.s32 @!p0 $0x4  }
0x121: {  	_ =	swait.ge @!p0 [sflag:s19], $0x4000  }
0x122: {  	s18 =	sadd.s32 $0x1, s18;
	[sflag:s19] =	ssyncset.done @!p0 $0x0  }
0x123: {  	s20 =	simm.s32 @!p0 $0xC800;
	[sflag:s19] =	ssyncadd.s32 @!p0 $0xFFFFC000;
	s19 =	simm.s32 @!p0 $0x0  }
0x124: {  	[hbm4b:s13+s19] =	stream.linear.scatter @!p0 [tilespmem:s20], [sflag:$0x8], $0x4000, $0x38;
	[tilespmem:$0x10800] =	vst v63  }
0x125: {  	p0 =	sne.s32 s18, $0x3D  }
.Ltmp0:
0x126: {  	_ = 	snop;
	(pc) =	sbr.rel @p0 .LBB2_2-.Ltmp0, $2  }
0x127: {  	_ =	sdelay $0x2  }
0x128: {  	s15 =	sadd.s32 $0x10, s15;
	s16 =	sadd.s32 $0x10, s16;
	s13 =	sadd.s32 $0x800, s13  }
0x129: {  	_ =	swait.ge [sflag:s22], $0x4000  }
0x12a: {  	[sflag:s22] =	ssyncset.done $0x0  }
0x12b: {  	[sflag:s22] =	ssyncadd.s32 $0xFFFFC000  }
0x12c: {  	[hbm4b:s9+s2] =	stream.linear.scatter [tilespmem:s24], [sflag:$0x6], $0x4000, $0x38;
	[tilespmem:$0x10800] =	vst v63  }
0x12d: {  	_ =	swait.ge [sflag:s23], $0x4000  }
0x12e: {  	[sflag:s23] =	ssyncset.done $0x0  }
0x12f: {  	[sflag:s23] =	ssyncadd.s32 $0xFFFFC000  }
0x130: {  	[hbm4b:s10+s2] =	stream.linear.scatter [tilespmem:s0], [sflag:$0x7], $0x4000, $0x38;
	[tilespmem:$0x10800] =	vst v63  }
0x131: {  	_ =	swait.ge [sflag:s25], $0x4000  }
0x132: {  	[sflag:s25] =	ssyncset.done $0x0  }
0x133: {  	s13 =	simm.s32 $0xC800;
	[sflag:s25] =	ssyncadd.s32 $0xFFFFC000  }
0x134: {  	[hbm4b:s11+s2] =	stream.linear.scatter [tilespmem:s13], [sflag:$0x8], $0x4000, $0x38;
	[tilespmem:$0x10800] =	vst v63  }
0x135: {  	_ =	swait.ge [sflag:s28], $0x4000  }
0x136: {  	[sflag:s28] =	ssyncset.done $0x0  }
0x137: {  	[sflag:s28] =	ssyncadd.s32 $0xFFFFC000  }
0x138: {  	_ =	swait.ge [sflag:s29], $0x4000  }
0x139: {  	[sflag:s29] =	ssyncset.done $0x0  }
0x13a: {  	s1 =	sadd.s32 $0x1, s1;
	[sflag:s29] =	ssyncadd.s32 $0xFFFFC000  }
0x13b: {  	p0 =	sne.s32 s1, s12;
	_ =	swait.ge [sflag:s30], $0x4000  }
.Ltmp1:
0x13c: {  	[sflag:s30] =	ssyncset.done $0x0;
	(pc) =	sbr.rel @p0 .LBB2_1-.Ltmp1, $4  }
0x13d: {  	[sflag:s30] =	ssyncadd.s32 $0xFFFFC000  }
0x13e: {  	_ =	swait.ge [sflag:s31], $0x4000  }
0x13f: {  	[sflag:s31] =	ssyncset.done $0x0  }
0x140: {  	[sflag:s31] =	ssyncadd.s32 $0xFFFFC000  }
0x141: {  	_ =	sfence.sel $0x180000  }
0x142: {  	[bflag:$0x0] =	sbarrier.arrive $0xFFFF  }
0x143: {  	_ =	strace $0x90000047  }
0x144: {  	s0 =	stileid.u32;
	[bflag:$0x2] =	sbarrier.arrive $0xFFFF  }
0x145: {  	p0 =	sne.s32 s0, $0x0;
	s0 =	rddreg [dreg:$0x2]  }
0x146: {  	s0 =	sadd.s32 @!p0 $0x100000, s0  }
0x147: {  	[sflag:s0] =	ssyncadd.tile.s32 @!p0 $0x1;
	_ =	shalt  }
.Lfunc_end2:
_tile_overlayer_lowered:
.L_overlay_start_2:
0x148: {  	(tag) =	ssettag $0x2  }
0x149: {  	s0 =	rddreg [dreg:$0x0];
	s2 =	stileid.u32  }
0x14a: {  	s1 =	rddreg [dreg:$0x1];
	p0 =	sne.s32 s2, $0x0  }
0x14b: {  	s3 =	rddreg [dreg:$0x2];
	[bflag:$0x3] =	sbarrier.arrive $0xFFFF;
	s2 =	simm.s32 @!p0 $0x1C09  }
0x14c: {  	[timem:s3], [sflag:s2] =	dma.local @!p0 [hbm:s0], s1  }
0x14d: {  	s0 =	simm.s32 @!p0 $0x9  }
0x14e: {  	_ =	swait.ge @!p0 [sflag:s0], s1  }
0x14f: {  	s1 =	ssub.s32 @!p0 $0x0, s1;
	[sflag:s0] =	ssyncset.done @!p0 $0x0  }
0x150: {  	[sflag:s0] =	ssyncadd.s32 @!p0 s1  }
0x151: {  	[bflag:$0x3] =	sbarrier.arrive $0xFFFF  }
0x152: {  	_ =	shalt  }

</sc_bundles>
